<compile_context>
chip_gen: v7x
topology: tpu7x:2x2x1
jax: 0.10.2.dev20260603
libtpu: 0.0.44.dev20260713+nightly
codegen_flags: <defaults>
</compile_context>

<pallas_src>
import functools

import jax
import jax.numpy as jnp
from jax import lax
from jax.experimental import pallas as pl
from jax.experimental.pallas import tpu as pltpu
from jax.experimental.pallas import tpu_sc as plsc

N = 16384
H = 200
L = 16
W = 128


@functools.lru_cache(maxsize=None)
def _build():
    info = plsc.get_sparse_core_info()
    NC, NS = info.num_cores, info.num_subcores
    NW = NC * NS
    R = N // NW
    TCOLS = R // W
    G = W // L

    mesh = plsc.VectorSubcoreMesh(core_axis_name="c", subcore_axis_name="s")

    @functools.partial(
        pl.kernel,
        mesh=mesh,
        out_type=jax.ShapeDtypeStruct((H, N), jnp.float32),
        compiler_params=pltpu.CompilerParams(needs_layout_passes=False),
        scratch_types=[
            pltpu.VMEM((R,), jnp.int32),
            pltpu.VMEM((R,), jnp.float32),
            pltpu.VMEM((H, W), jnp.float32),
            pltpu.VMEM((H, W), jnp.float32),
            pltpu.VMEM((H, W), jnp.float32),
            pltpu.VMEM((H, W), jnp.float32),
            pltpu.SemaphoreType.DMA,
            pltpu.SemaphoreType.DMA,
            pltpu.SemaphoreType.DMA,
            pltpu.SemaphoreType.DMA,
            pltpu.SemaphoreType.DMA,
        ],
    )
    def sc_kernel(
        x_hbm, bufT_hbm, i_hbm, outT_hbm,
        i_v, x_v, in0, in1, out0, out1, is0, is1, os0, os1, ps0,
    ):
        wid = lax.axis_index("s") * NC + lax.axis_index("c")
        base = wid * R
        iv_cp = pltpu.make_async_copy(i_hbm.at[pl.ds(base, R)], i_v, ps0)
        xv_cp = pltpu.make_async_copy(x_hbm.at[pl.ds(base, R)], x_v, ps0)
        iv_cp.start()
        xv_cp.start()
        lane = lax.iota(jnp.int32, L)
        ins, outs = [in0, in1], [out0, out1]
        isems, osems = [is0, is1], [os0, os1]

        def copy_in(t, dst, sem):
            return pltpu.make_async_copy(
                bufT_hbm.at[:, pl.ds(base + t * W, W)], dst, sem
            )

        def copy_out(t, src, sem):
            return pltpu.make_async_copy(
                src, outT_hbm.at[:, pl.ds(base + t * W, W)], sem
            )

        def compute(t, in_ref, out_ref):
            nls = []
            hs = []
            for g in range(G):
                off = t * W + g * L
                ivec = i_v[pl.ds(off, L)]
                xvec = x_v[pl.ds(off, L)]
                nl = g * L + lane
                plsc.store_scatter(in_ref, [ivec, nl], xvec)
                nls.append(nl)
                hs.append(ivec.astype(jnp.uint32))

            wrap = jnp.uint32(H - 1)

            def body(k2, hs):
                for step in range(2):
                    k = k2 * 2 + step
                    vals = [
                        plsc.load_gather(
                            in_ref, [hs[g].astype(jnp.int32), nls[g]]
                        )
                        for g in range(G)
                    ]
                    for g in range(G):
                        out_ref[k, pl.ds(g * L, L)] = vals[g]
                    hs = tuple(jnp.minimum(hs[g] - 1, wrap) for g in range(G))
                return hs

            lax.fori_loop(0, H // 2, body, tuple(hs))

        copy_in(0, ins[0], isems[0]).start()
        iv_cp.wait()
        xv_cp.wait()
        for t in range(TCOLS):
            b = t % 2
            if t + 1 < TCOLS:
                copy_in(t + 1, ins[1 - b], isems[1 - b]).start()
            copy_in(t, ins[b], isems[b]).wait()
            if t >= 2:
                copy_out(t - 2, outs[b], osems[b]).wait()
            compute(t, ins[b], outs[b])
            copy_out(t, outs[b], osems[b]).start()
        copy_out(TCOLS - 2, outs[(TCOLS - 2) % 2], osems[(TCOLS - 2) % 2]).wait()
        copy_out(TCOLS - 1, outs[(TCOLS - 1) % 2], osems[(TCOLS - 1) % 2]).wait()

    return sc_kernel


def kernel(x, buffer, i):
    out_t = _build()(x.reshape(-1), buffer.T, i.astype(jnp.int32))
    return out_t.T

# --- scband reference (transcript-rebuilt; emitter-appended) ---
"""Pipeline reference for scband-history-buffer-58411555225724 (READ-ONLY COPY).

The authoritative reference and input builder live on the scoring server;
editing this copy changes nothing except your own understanding.
"""

import jax, jax.numpy as jnp
import numpy as np

NUM_ENVS = 16384
HIST_LEN = 200

def setup_inputs(seed: int = 0) -> dict:
    key = jax.random.key(seed)
    k1, k2, k3 = jax.random.split(key, 3)
    x = jax.random.normal(k1, (NUM_ENVS, 1), dtype=jnp.float32)
    buffer = jax.random.normal(k2, (NUM_ENVS, HIST_LEN), dtype=jnp.float32)
    i = jax.random.randint(k3, (NUM_ENVS,), 0, HIST_LEN, dtype=jnp.int64 if jax.config.jax_enable_x64 else jnp.int32).astype(jnp.int32)
    return {"x": x, "buffer": buffer, "i": i}

def reference(x, buffer, i):
    # Faithful translation of HistoryBuffer.add(x) followed by get_history()
    N, H = buffer.shape
    xs = jnp.squeeze(x, axis=-1)
    env_indices = jnp.arange(N)
    # add: scatter-overwrite x into circular buffer at position i per env
    buf = buffer.at[env_indices, i].set(xs)
    # pointer advance (add() increments i after the write)
    i_new = (i + 1) % H
    # get_history: double buffer trick + ring gather
    double_buffer = jnp.concatenate([buf, buf], axis=1)
    indices = i_new[:, None] + jnp.arange(H)[None, :]
    history = jnp.take_along_axis(double_buffer, indices, axis=1)
    history = jnp.flip(history, axis=1)
    return history

if __name__ == "__main__":
    import jax
    _d = setup_inputs()
    print(jax.jit(kernel)(*tuple(_d.values())))

</pallas_src>

<mosaic_0001>
#map = affine_map<(d0, d1) -> (0)>
#map1 = affine_map<(d0, d1) -> (0, 0)>
module attributes {stable_mosaic.version = 14 : i64} {
  func.func @sc_kernel(%arg0: i32, %arg1: i32, %arg2: memref<16384xf32, #tpu.memory_space<hbm>>, %arg3: memref<200x16384xf32, #tpu.memory_space<hbm>>, %arg4: memref<16384xi32, #tpu.memory_space<hbm>>, %arg5: memref<200x16384xf32, #tpu.memory_space<hbm>>, %arg6: memref<512xi32, #tpu.memory_space<vmem>>, %arg7: memref<512xf32, #tpu.memory_space<vmem>>, %arg8: memref<200x128xf32, #tpu.memory_space<vmem>>, %arg9: memref<200x128xf32, #tpu.memory_space<vmem>>, %arg10: memref<200x128xf32, #tpu.memory_space<vmem>>, %arg11: memref<200x128xf32, #tpu.memory_space<vmem>>, %arg12: memref<!tpu.dma_semaphore, #tpu.memory_space<semaphore_mem>>, %arg13: memref<!tpu.dma_semaphore, #tpu.memory_space<semaphore_mem>>, %arg14: memref<!tpu.dma_semaphore, #tpu.memory_space<semaphore_mem>>, %arg15: memref<!tpu.dma_semaphore, #tpu.memory_space<semaphore_mem>>, %arg16: memref<!tpu.dma_semaphore, #tpu.memory_space<semaphore_mem>>) attributes {dimension_semantics = [#tpu.dimension_semantics<core_parallel>, #tpu.dimension_semantics<subcore_parallel>], iteration_bounds = array<i64: 2, 16>, scalar_prefetch = 0 : i64, scratch_operands = 11 : i64, tpu.core_type = #tpu.core_type<sc_vector_subcore>, window_params = [{transform_indices = #map}, {transform_indices = #map1}, {transform_indices = #map}, {transform_indices = #map1}]} {
    %mul3A = arith.constant 2 : i32
    %mul3A_0 = arith.muli %arg1, %mul3A : i32
    %add3A = arith.addi %mul3A_0, %arg0 : i32
    %mul3A_1 = arith.constant 512 : i32
    %mul3A_2 = arith.muli %add3A, %mul3A_1 : i32
    %dma_start3A = tpu.memref_slice %arg4[%mul3A_2] : memref<16384xi32, #tpu.memory_space<hbm>> -> memref<512xi32, #tpu.memory_space<hbm>>
    %dma_start3A_3 = tpu.memref_slice %arg4[%mul3A_2] : memref<16384xi32, #tpu.memory_space<hbm>> -> memref<512xi32, #tpu.memory_space<hbm>>
    tpu.enqueue_dma source(%dma_start3A_3 : memref<512xi32, #tpu.memory_space<hbm>>) target(%arg6 : memref<512xi32, #tpu.memory_space<vmem>>) target_semaphore(%arg16 : memref<!tpu.dma_semaphore, #tpu.memory_space<semaphore_mem>>)
    %dma_start3A_4 = tpu.memref_slice %arg2[%mul3A_2] : memref<16384xf32, #tpu.memory_space<hbm>> -> memref<512xf32, #tpu.memory_space<hbm>>
    %dma_start3A_5 = tpu.memref_slice %arg2[%mul3A_2] : memref<16384xf32, #tpu.memory_space<hbm>> -> memref<512xf32, #tpu.memory_space<hbm>>
    tpu.enqueue_dma source(%dma_start3A_5 : memref<512xf32, #tpu.memory_space<hbm>>) target(%arg7 : memref<512xf32, #tpu.memory_space<vmem>>) target_semaphore(%arg16 : memref<!tpu.dma_semaphore, #tpu.memory_space<semaphore_mem>>)
    %iota3A = tpu.iota {dimensions = array<i32: 0>} : vector<16xi32>
    %add3A_6 = arith.constant 0 : i32
    %add3A_7 = arith.addi %mul3A_2, %add3A_6 : i32
    %dma_start3A_8 = arith.constant 0 : i32
    %dma_start3A_9 = tpu.memref_slice %arg3[%dma_start3A_8, %add3A_7] : memref<200x16384xf32, #tpu.memory_space<hbm>> -> memref<200x128xf32, #tpu.memory_space<hbm>>
    %dma_start3A_10 = arith.constant 0 : i32
    %dma_start3A_11 = tpu.memref_slice %arg3[%dma_start3A_10, %add3A_7] : memref<200x16384xf32, #tpu.memory_space<hbm>> -> memref<200x128xf32, #tpu.memory_space<hbm>>
    tpu.enqueue_dma source(%dma_start3A_11 : memref<200x128xf32, #tpu.memory_space<hbm>>) target(%arg8 : memref<200x128xf32, #tpu.memory_space<vmem>>) target_semaphore(%arg12 : memref<!tpu.dma_semaphore, #tpu.memory_space<semaphore_mem>>)
    %dma_wait3A = tpu.memref_slice %arg4[%mul3A_2] : memref<16384xi32, #tpu.memory_space<hbm>> -> memref<512xi32, #tpu.memory_space<hbm>>
    %dma_wait3A_12 = tpu.memref_slice %arg4[%mul3A_2] : memref<16384xi32, #tpu.memory_space<hbm>> -> memref<512xi32, #tpu.memory_space<hbm>>
    tpu.wait_dma2 semaphore(%arg16 : memref<!tpu.dma_semaphore, #tpu.memory_space<semaphore_mem>>) src(%dma_wait3A_12 : memref<512xi32, #tpu.memory_space<hbm>>) dst(%arg6 : memref<512xi32, #tpu.memory_space<vmem>>)
    %dma_wait3A_13 = tpu.memref_slice %arg2[%mul3A_2] : memref<16384xf32, #tpu.memory_space<hbm>> -> memref<512xf32, #tpu.memory_space<hbm>>
    %dma_wait3A_14 = tpu.memref_slice %arg2[%mul3A_2] : memref<16384xf32, #tpu.memory_space<hbm>> -> memref<512xf32, #tpu.memory_space<hbm>>
    tpu.wait_dma2 semaphore(%arg16 : memref<!tpu.dma_semaphore, #tpu.memory_space<semaphore_mem>>) src(%dma_wait3A_14 : memref<512xf32, #tpu.memory_space<hbm>>) dst(%arg7 : memref<512xf32, #tpu.memory_space<vmem>>)
    %add3A_15 = arith.constant 128 : i32
    %add3A_16 = arith.addi %mul3A_2, %add3A_15 : i32
    %dma_start3A_17 = arith.constant 0 : i32
    %dma_start3A_18 = tpu.memref_slice %arg3[%dma_start3A_17, %add3A_16] : memref<200x16384xf32, #tpu.memory_space<hbm>> -> memref<200x128xf32, #tpu.memory_space<hbm>>
    %dma_start3A_19 = arith.constant 0 : i32
    %dma_start3A_20 = tpu.memref_slice %arg3[%dma_start3A_19, %add3A_16] : memref<200x16384xf32, #tpu.memory_space<hbm>> -> memref<200x128xf32, #tpu.memory_space<hbm>>
    tpu.enqueue_dma source(%dma_start3A_20 : memref<200x128xf32, #tpu.memory_space<hbm>>) target(%arg9 : memref<200x128xf32, #tpu.memory_space<vmem>>) target_semaphore(%arg13 : memref<!tpu.dma_semaphore, #tpu.memory_space<semaphore_mem>>)
    %add3A_21 = arith.constant 0 : i32
    %add3A_22 = arith.addi %mul3A_2, %add3A_21 : i32
    %dma_wait3A_23 = arith.constant 0 : i32
    %dma_wait3A_24 = tpu.memref_slice %arg3[%dma_wait3A_23, %add3A_22] : memref<200x16384xf32, #tpu.memory_space<hbm>> -> memref<200x128xf32, #tpu.memory_space<hbm>>
    %dma_wait3A_25 = arith.constant 0 : i32
    %dma_wait3A_26 = tpu.memref_slice %arg3[%dma_wait3A_25, %add3A_22] : memref<200x16384xf32, #tpu.memory_space<hbm>> -> memref<200x128xf32, #tpu.memory_space<hbm>>
    tpu.wait_dma2 semaphore(%arg12 : memref<!tpu.dma_semaphore, #tpu.memory_space<semaphore_mem>>) src(%dma_wait3A_26 : memref<200x128xf32, #tpu.memory_space<hbm>>) dst(%arg8 : memref<200x128xf32, #tpu.memory_space<vmem>>)
    %get3A = arith.constant 0 : index
    %get3A_27 = tpu.vector_load %arg6[%get3A] {strides = array<i32>} : memref<512xi32, #tpu.memory_space<vmem>>, vector<16xi32>,
    %get3A_28 = arith.constant 0 : index
    %get3A_29 = tpu.vector_load %arg7[%get3A_28] {strides = array<i32>} : memref<512xf32, #tpu.memory_space<vmem>>, vector<16xf32>,
    %add3A_30 = arith.constant 0 : i32
    %add3A_31 = vector.broadcast %add3A_30 : i32 to vector<16xi32>
    %add3A_32 = arith.addi %add3A_31, %iota3A : vector<16xi32>
    tpu.vector_store_idx %arg8[%get3A_27, %add3A_32], %get3A_29 : memref<200x128xf32, #tpu.memory_space<vmem>>[vector<16xi32>, vector<16xi32>], vector<16xf32>,
    %get3A_33 = arith.constant 16 : index
    %get3A_34 = tpu.vector_load %arg6[%get3A_33] {strides = array<i32>} : memref<512xi32, #tpu.memory_space<vmem>>, vector<16xi32>,
    %get3A_35 = arith.constant 16 : index
    %get3A_36 = tpu.vector_load %arg7[%get3A_35] {strides = array<i32>} : memref<512xf32, #tpu.memory_space<vmem>>, vector<16xf32>,
    %add3A_37 = arith.constant 16 : i32
    %add3A_38 = vector.broadcast %add3A_37 : i32 to vector<16xi32>
    %add3A_39 = arith.addi %add3A_38, %iota3A : vector<16xi32>
    tpu.vector_store_idx %arg8[%get3A_34, %add3A_39], %get3A_36 : memref<200x128xf32, #tpu.memory_space<vmem>>[vector<16xi32>, vector<16xi32>], vector<16xf32>,
    %get3A_40 = arith.constant 32 : index
    %get3A_41 = tpu.vector_load %arg6[%get3A_40] {strides = array<i32>} : memref<512xi32, #tpu.memory_space<vmem>>, vector<16xi32>,
    %get3A_42 = arith.constant 32 : index
    %get3A_43 = tpu.vector_load %arg7[%get3A_42] {strides = array<i32>} : memref<512xf32, #tpu.memory_space<vmem>>, vector<16xf32>,
    %add3A_44 = arith.constant 32 : i32
    %add3A_45 = vector.broadcast %add3A_44 : i32 to vector<16xi32>
    %add3A_46 = arith.addi %add3A_45, %iota3A : vector<16xi32>
    tpu.vector_store_idx %arg8[%get3A_41, %add3A_46], %get3A_43 : memref<200x128xf32, #tpu.memory_space<vmem>>[vector<16xi32>, vector<16xi32>], vector<16xf32>,
    %get3A_47 = arith.constant 48 : index
    %get3A_48 = tpu.vector_load %arg6[%get3A_47] {strides = array<i32>} : memref<512xi32, #tpu.memory_space<vmem>>, vector<16xi32>,
    %get3A_49 = arith.constant 48 : index
    %get3A_50 = tpu.vector_load %arg7[%get3A_49] {strides = array<i32>} : memref<512xf32, #tpu.memory_space<vmem>>, vector<16xf32>,
    %add3A_51 = arith.constant 48 : i32
    %add3A_52 = vector.broadcast %add3A_51 : i32 to vector<16xi32>
    %add3A_53 = arith.addi %add3A_52, %iota3A : vector<16xi32>
    tpu.vector_store_idx %arg8[%get3A_48, %add3A_53], %get3A_50 : memref<200x128xf32, #tpu.memory_space<vmem>>[vector<16xi32>, vector<16xi32>], vector<16xf32>,
    %get3A_54 = arith.constant 64 : index
    %get3A_55 = tpu.vector_load %arg6[%get3A_54] {strides = array<i32>} : memref<512xi32, #tpu.memory_space<vmem>>, vector<16xi32>,
    %get3A_56 = arith.constant 64 : index
    %get3A_57 = tpu.vector_load %arg7[%get3A_56] {strides = array<i32>} : memref<512xf32, #tpu.memory_space<vmem>>, vector<16xf32>,
    %add3A_58 = arith.constant 64 : i32
    %add3A_59 = vector.broadcast %add3A_58 : i32 to vector<16xi32>
    %add3A_60 = arith.addi %add3A_59, %iota3A : vector<16xi32>
    tpu.vector_store_idx %arg8[%get3A_55, %add3A_60], %get3A_57 : memref<200x128xf32, #tpu.memory_space<vmem>>[vector<16xi32>, vector<16xi32>], vector<16xf32>,
    %get3A_61 = arith.constant 80 : index
    %get3A_62 = tpu.vector_load %arg6[%get3A_61] {strides = array<i32>} : memref<512xi32, #tpu.memory_space<vmem>>, vector<16xi32>,
    %get3A_63 = arith.constant 80 : index
    %get3A_64 = tpu.vector_load %arg7[%get3A_63] {strides = array<i32>} : memref<512xf32, #tpu.memory_space<vmem>>, vector<16xf32>,
    %add3A_65 = arith.constant 80 : i32
    %add3A_66 = vector.broadcast %add3A_65 : i32 to vector<16xi32>
    %add3A_67 = arith.addi %add3A_66, %iota3A : vector<16xi32>
    tpu.vector_store_idx %arg8[%get3A_62, %add3A_67], %get3A_64 : memref<200x128xf32, #tpu.memory_space<vmem>>[vector<16xi32>, vector<16xi32>], vector<16xf32>,
    %get3A_68 = arith.constant 96 : index
    %get3A_69 = tpu.vector_load %arg6[%get3A_68] {strides = array<i32>} : memref<512xi32, #tpu.memory_space<vmem>>, vector<16xi32>,
    %get3A_70 = arith.constant 96 : index
    %get3A_71 = tpu.vector_load %arg7[%get3A_70] {strides = array<i32>} : memref<512xf32, #tpu.memory_space<vmem>>, vector<16xf32>,
    %add3A_72 = arith.constant 96 : i32
    %add3A_73 = vector.broadcast %add3A_72 : i32 to vector<16xi32>
    %add3A_74 = arith.addi %add3A_73, %iota3A : vector<16xi32>
    tpu.vector_store_idx %arg8[%get3A_69, %add3A_74], %get3A_71 : memref<200x128xf32, #tpu.memory_space<vmem>>[vector<16xi32>, vector<16xi32>], vector<16xf32>,
    %get3A_75 = arith.constant 112 : index
    %get3A_76 = tpu.vector_load %arg6[%get3A_75] {strides = array<i32>} : memref<512xi32, #tpu.memory_space<vmem>>, vector<16xi32>,
    %get3A_77 = arith.constant 112 : index
    %get3A_78 = tpu.vector_load %arg7[%get3A_77] {strides = array<i32>} : memref<512xf32, #tpu.memory_space<vmem>>, vector<16xf32>,
    %add3A_79 = arith.constant 112 : i32
    %add3A_80 = vector.broadcast %add3A_79 : i32 to vector<16xi32>
    %add3A_81 = arith.addi %add3A_80, %iota3A : vector<16xi32>
    tpu.vector_store_idx %arg8[%get3A_76, %add3A_81], %get3A_78 : memref<200x128xf32, #tpu.memory_space<vmem>>[vector<16xi32>, vector<16xi32>], vector<16xf32>,
    %scan3A = arith.constant 199 : i32
    %scan3A_82 = arith.constant 0 : i32
    %scan3A_83 = arith.constant 100 : i32
    %scan3A_84 = arith.addi %scan3A_82, %scan3A_83 : i32
    %scan3A_85 = arith.constant 1 : i32
    %scan3A_86:8 = scf.for %scan3A_355 = %scan3A_82 to %scan3A_84 step %scan3A_85 iter_args(%scan3A_356 = %get3A_27, %scan3A_357 = %get3A_34, %scan3A_358 = %get3A_41, %scan3A_359 = %get3A_48, %scan3A_360 = %get3A_55, %scan3A_361 = %get3A_62, %scan3A_362 = %get3A_69, %scan3A_363 = %get3A_76) -> (vector<16xi32>, vector<16xi32>, vector<16xi32>, vector<16xi32>, vector<16xi32>, vector<16xi32>, vector<16xi32>, vector<16xi32>)  : i32 {
      %mul3A_364 = arith.constant 2 : i32
      %mul3A_365 = arith.muli %scan3A_355, %mul3A_364 : i32
      %add3A_366 = arith.constant 0 : i32
      %add3A_367 = arith.addi %mul3A_365, %add3A_366 : i32
      %gather3A = tpu.vector_load_idx %arg8[%scan3A_356, %add3A_32] : memref<200x128xf32, #tpu.memory_space<vmem>>[vector<16xi32>, vector<16xi32>], vector<16xf32>,
      %gather3A_368 = tpu.vector_load_idx %arg8[%scan3A_357, %add3A_39] : memref<200x128xf32, #tpu.memory_space<vmem>>[vector<16xi32>, vector<16xi32>], vector<16xf32>,
      %gather3A_369 = tpu.vector_load_idx %arg8[%scan3A_358, %add3A_46] : memref<200x128xf32, #tpu.memory_space<vmem>>[vector<16xi32>, vector<16xi32>], vector<16xf32>,
      %gather3A_370 = tpu.vector_load_idx %arg8[%scan3A_359, %add3A_53] : memref<200x128xf32, #tpu.memory_space<vmem>>[vector<16xi32>, vector<16xi32>], vector<16xf32>,
      %gather3A_371 = tpu.vector_load_idx %arg8[%scan3A_360, %add3A_60] : memref<200x128xf32, #tpu.memory_space<vmem>>[vector<16xi32>, vector<16xi32>], vector<16xf32>,
      %gather3A_372 = tpu.vector_load_idx %arg8[%scan3A_361, %add3A_67] : memref<200x128xf32, #tpu.memory_space<vmem>>[vector<16xi32>, vector<16xi32>], vector<16xf32>,
      %gather3A_373 = tpu.vector_load_idx %arg8[%scan3A_362, %add3A_74] : memref<200x128xf32, #tpu.memory_space<vmem>>[vector<16xi32>, vector<16xi32>], vector<16xf32>,
      %gather3A_374 = tpu.vector_load_idx %arg8[%scan3A_363, %add3A_81] : memref<200x128xf32, #tpu.memory_space<vmem>>[vector<16xi32>, vector<16xi32>], vector<16xf32>,
      %swap3A = arith.index_cast %add3A_367 : i32 to index
      %swap3A_375 = arith.constant 0 : index
      %swap3A_376 = tpu.vector_load %arg10[%swap3A, %swap3A_375] {strides = array<i32>} : memref<200x128xf32, #tpu.memory_space<vmem>>, vector<16xf32>,
      tpu.vector_store %arg10[%swap3A, %swap3A_375], %gather3A {strides = array<i32>} : memref<200x128xf32, #tpu.memory_space<vmem>>, vector<16xf32>,
      %swap3A_377 = arith.index_cast %add3A_367 : i32 to index
      %swap3A_378 = arith.constant 16 : index
      %swap3A_379 = tpu.vector_load %arg10[%swap3A_377, %swap3A_378] {strides = array<i32>} : memref<200x128xf32, #tpu.memory_space<vmem>>, vector<16xf32>,
      tpu.vector_store %arg10[%swap3A_377, %swap3A_378], %gather3A_368 {strides = array<i32>} : memref<200x128xf32, #tpu.memory_space<vmem>>, vector<16xf32>,
      %swap3A_380 = arith.index_cast %add3A_367 : i32 to index
      %swap3A_381 = arith.constant 32 : index
      %swap3A_382 = tpu.vector_load %arg10[%swap3A_380, %swap3A_381] {strides = array<i32>} : memref<200x128xf32, #tpu.memory_space<vmem>>, vector<16xf32>,
      tpu.vector_store %arg10[%swap3A_380, %swap3A_381], %gather3A_369 {strides = array<i32>} : memref<200x128xf32, #tpu.memory_space<vmem>>, vector<16xf32>,
      %swap3A_383 = arith.index_cast %add3A_367 : i32 to index
      %swap3A_384 = arith.constant 48 : index
      %swap3A_385 = tpu.vector_load %arg10[%swap3A_383, %swap3A_384] {strides = array<i32>} : memref<200x128xf32, #tpu.memory_space<vmem>>, vector<16xf32>,
      tpu.vector_store %arg10[%swap3A_383, %swap3A_384], %gather3A_370 {strides = array<i32>} : memref<200x128xf32, #tpu.memory_space<vmem>>, vector<16xf32>,
      %swap3A_386 = arith.index_cast %add3A_367 : i32 to index
      %swap3A_387 = arith.constant 64 : index
      %swap3A_388 = tpu.vector_load %arg10[%swap3A_386, %swap3A_387] {strides = array<i32>} : memref<200x128xf32, #tpu.memory_space<vmem>>, vector<16xf32>,
      tpu.vector_store %arg10[%swap3A_386, %swap3A_387], %gather3A_371 {strides = array<i32>} : memref<200x128xf32, #tpu.memory_space<vmem>>, vector<16xf32>,
      %swap3A_389 = arith.index_cast %add3A_367 : i32 to index
      %swap3A_390 = arith.constant 80 : index
      %swap3A_391 = tpu.vector_load %arg10[%swap3A_389, %swap3A_390] {strides = array<i32>} : memref<200x128xf32, #tpu.memory_space<vmem>>, vector<16xf32>,
      tpu.vector_store %arg10[%swap3A_389, %swap3A_390], %gather3A_372 {strides = array<i32>} : memref<200x128xf32, #tpu.memory_space<vmem>>, vector<16xf32>,
      %swap3A_392 = arith.index_cast %add3A_367 : i32 to index
      %swap3A_393 = arith.constant 96 : index
      %swap3A_394 = tpu.vector_load %arg10[%swap3A_392, %swap3A_393] {strides = array<i32>} : memref<200x128xf32, #tpu.memory_space<vmem>>, vector<16xf32>,
      tpu.vector_store %arg10[%swap3A_392, %swap3A_393], %gather3A_373 {strides = array<i32>} : memref<200x128xf32, #tpu.memory_space<vmem>>, vector<16xf32>,
      %swap3A_395 = arith.index_cast %add3A_367 : i32 to index
      %swap3A_396 = arith.constant 112 : index
      %swap3A_397 = tpu.vector_load %arg10[%swap3A_395, %swap3A_396] {strides = array<i32>} : memref<200x128xf32, #tpu.memory_space<vmem>>, vector<16xf32>,
      tpu.vector_store %arg10[%swap3A_395, %swap3A_396], %gather3A_374 {strides = array<i32>} : memref<200x128xf32, #tpu.memory_space<vmem>>, vector<16xf32>,
      %sub3A = arith.constant 1 : i32
      %sub3A_398 = vector.broadcast %sub3A : i32 to vector<16xi32>
      %sub3A_399 = arith.subi %scan3A_356, %sub3A_398 : vector<16xi32>
      %min3A = vector.broadcast %scan3A : i32 to vector<16xi32>
      %min3A_400 = arith.minui %sub3A_399, %min3A : vector<16xi32>
      %sub3A_401 = arith.constant 1 : i32
      %sub3A_402 = vector.broadcast %sub3A_401 : i32 to vector<16xi32>
      %sub3A_403 = arith.subi %scan3A_357, %sub3A_402 : vector<16xi32>
      %min3A_404 = vector.broadcast %scan3A : i32 to vector<16xi32>
      %min3A_405 = arith.minui %sub3A_403, %min3A_404 : vector<16xi32>
      %sub3A_406 = arith.constant 1 : i32
      %sub3A_407 = vector.broadcast %sub3A_406 : i32 to vector<16xi32>
      %sub3A_408 = arith.subi %scan3A_358, %sub3A_407 : vector<16xi32>
      %min3A_409 = vector.broadcast %scan3A : i32 to vector<16xi32>
      %min3A_410 = arith.minui %sub3A_408, %min3A_409 : vector<16xi32>
      %sub3A_411 = arith.constant 1 : i32
      %sub3A_412 = vector.broadcast %sub3A_411 : i32 to vector<16xi32>
      %sub3A_413 = arith.subi %scan3A_359, %sub3A_412 : vector<16xi32>
      %min3A_414 = vector.broadcast %scan3A : i32 to vector<16xi32>
      %min3A_415 = arith.minui %sub3A_413, %min3A_414 : vector<16xi32>
      %sub3A_416 = arith.constant 1 : i32
      %sub3A_417 = vector.broadcast %sub3A_416 : i32 to vector<16xi32>
      %sub3A_418 = arith.subi %scan3A_360, %sub3A_417 : vector<16xi32>
      %min3A_419 = vector.broadcast %scan3A : i32 to vector<16xi32>
      %min3A_420 = arith.minui %sub3A_418, %min3A_419 : vector<16xi32>
      %sub3A_421 = arith.constant 1 : i32
      %sub3A_422 = vector.broadcast %sub3A_421 : i32 to vector<16xi32>
      %sub3A_423 = arith.subi %scan3A_361, %sub3A_422 : vector<16xi32>
      %min3A_424 = vector.broadcast %scan3A : i32 to vector<16xi32>
      %min3A_425 = arith.minui %sub3A_423, %min3A_424 : vector<16xi32>
      %sub3A_426 = arith.constant 1 : i32
      %sub3A_427 = vector.broadcast %sub3A_426 : i32 to vector<16xi32>
      %sub3A_428 = arith.subi %scan3A_362, %sub3A_427 : vector<16xi32>
      %min3A_429 = vector.broadcast %scan3A : i32 to vector<16xi32>
      %min3A_430 = arith.minui %sub3A_428, %min3A_429 : vector<16xi32>
      %sub3A_431 = arith.constant 1 : i32
      %sub3A_432 = vector.broadcast %sub3A_431 : i32 to vector<16xi32>
      %sub3A_433 = arith.subi %scan3A_363, %sub3A_432 : vector<16xi32>
      %min3A_434 = vector.broadcast %scan3A : i32 to vector<16xi32>
      %min3A_435 = arith.minui %sub3A_433, %min3A_434 : vector<16xi32>
      %mul3A_436 = arith.constant 2 : i32
      %mul3A_437 = arith.muli %scan3A_355, %mul3A_436 : i32
      %add3A_438 = arith.constant 1 : i32
      %add3A_439 = arith.addi %mul3A_437, %add3A_438 : i32
      %gather3A_440 = tpu.vector_load_idx %arg8[%min3A_400, %add3A_32] : memref<200x128xf32, #tpu.memory_space<vmem>>[vector<16xi32>, vector<16xi32>], vector<16xf32>,
      %gather3A_441 = tpu.vector_load_idx %arg8[%min3A_405, %add3A_39] : memref<200x128xf32, #tpu.memory_space<vmem>>[vector<16xi32>, vector<16xi32>], vector<16xf32>,
      %gather3A_442 = tpu.vector_load_idx %arg8[%min3A_410, %add3A_46] : memref<200x128xf32, #tpu.memory_space<vmem>>[vector<16xi32>, vector<16xi32>], vector<16xf32>,
      %gather3A_443 = tpu.vector_load_idx %arg8[%min3A_415, %add3A_53] : memref<200x128xf32, #tpu.memory_space<vmem>>[vector<16xi32>, vector<16xi32>], vector<16xf32>,
      %gather3A_444 = tpu.vector_load_idx %arg8[%min3A_420, %add3A_60] : memref<200x128xf32, #tpu.memory_space<vmem>>[vector<16xi32>, vector<16xi32>], vector<16xf32>,
      %gather3A_445 = tpu.vector_load_idx %arg8[%min3A_425, %add3A_67] : memref<200x128xf32, #tpu.memory_space<vmem>>[vector<16xi32>, vector<16xi32>], vector<16xf32>,
      %gather3A_446 = tpu.vector_load_idx %arg8[%min3A_430, %add3A_74] : memref<200x128xf32, #tpu.memory_space<vmem>>[vector<16xi32>, vector<16xi32>], vector<16xf32>,
      %gather3A_447 = tpu.vector_load_idx %arg8[%min3A_435, %add3A_81] : memref<200x128xf32, #tpu.memory_space<vmem>>[vector<16xi32>, vector<16xi32>], vector<16xf32>,
      %swap3A_448 = arith.index_cast %add3A_439 : i32 to index
      %swap3A_449 = arith.constant 0 : index
      %swap3A_450 = tpu.vector_load %arg10[%swap3A_448, %swap3A_449] {strides = array<i32>} : memref<200x128xf32, #tpu.memory_space<vmem>>, vector<16xf32>,
      tpu.vector_store %arg10[%swap3A_448, %swap3A_449], %gather3A_440 {strides = array<i32>} : memref<200x128xf32, #tpu.memory_space<vmem>>, vector<16xf32>,
      %swap3A_451 = arith.index_cast %add3A_439 : i32 to index
      %swap3A_452 = arith.constant 16 : index
      %swap3A_453 = tpu.vector_load %arg10[%swap3A_451, %swap3A_452] {strides = array<i32>} : memref<200x128xf32, #tpu.memory_space<vmem>>, vector<16xf32>,
      tpu.vector_store %arg10[%swap3A_451, %swap3A_452], %gather3A_441 {strides = array<i32>} : memref<200x128xf32, #tpu.memory_space<vmem>>, vector<16xf32>,
      %swap3A_454 = arith.index_cast %add3A_439 : i32 to index
      %swap3A_455 = arith.constant 32 : index
      %swap3A_456 = tpu.vector_load %arg10[%swap3A_454, %swap3A_455] {strides = array<i32>} : memref<200x128xf32, #tpu.memory_space<vmem>>, vector<16xf32>,
      tpu.vector_store %arg10[%swap3A_454, %swap3A_455], %gather3A_442 {strides = array<i32>} : memref<200x128xf32, #tpu.memory_space<vmem>>, vector<16xf32>,
      %swap3A_457 = arith.index_cast %add3A_439 : i32 to index
      %swap3A_458 = arith.constant 48 : index
      %swap3A_459 = tpu.vector_load %arg10[%swap3A_457, %swap3A_458] {strides = array<i32>} : memref<200x128xf32, #tpu.memory_space<vmem>>, vector<16xf32>,
      tpu.vector_store %arg10[%swap3A_457, %swap3A_458], %gather3A_443 {strides = array<i32>} : memref<200x128xf32, #tpu.memory_space<vmem>>, vector<16xf32>,
      %swap3A_460 = arith.index_cast %add3A_439 : i32 to index
      %swap3A_461 = arith.constant 64 : index
      %swap3A_462 = tpu.vector_load %arg10[%swap3A_460, %swap3A_461] {strides = array<i32>} : memref<200x128xf32, #tpu.memory_space<vmem>>, vector<16xf32>,
      tpu.vector_store %arg10[%swap3A_460, %swap3A_461], %gather3A_444 {strides = array<i32>} : memref<200x128xf32, #tpu.memory_space<vmem>>, vector<16xf32>,
      %swap3A_463 = arith.index_cast %add3A_439 : i32 to index
      %swap3A_464 = arith.constant 80 : index
      %swap3A_465 = tpu.vector_load %arg10[%swap3A_463, %swap3A_464] {strides = array<i32>} : memref<200x128xf32, #tpu.memory_space<vmem>>, vector<16xf32>,
      tpu.vector_store %arg10[%swap3A_463, %swap3A_464], %gather3A_445 {strides = array<i32>} : memref<200x128xf32, #tpu.memory_space<vmem>>, vector<16xf32>,
      %swap3A_466 = arith.index_cast %add3A_439 : i32 to index
      %swap3A_467 = arith.constant 96 : index
      %swap3A_468 = tpu.vector_load %arg10[%swap3A_466, %swap3A_467] {strides = array<i32>} : memref<200x128xf32, #tpu.memory_space<vmem>>, vector<16xf32>,
      tpu.vector_store %arg10[%swap3A_466, %swap3A_467], %gather3A_446 {strides = array<i32>} : memref<200x128xf32, #tpu.memory_space<vmem>>, vector<16xf32>,
      %swap3A_469 = arith.index_cast %add3A_439 : i32 to index
      %swap3A_470 = arith.constant 112 : index
      %swap3A_471 = tpu.vector_load %arg10[%swap3A_469, %swap3A_470] {strides = array<i32>} : memref<200x128xf32, #tpu.memory_space<vmem>>, vector<16xf32>,
      tpu.vector_store %arg10[%swap3A_469, %swap3A_470], %gather3A_447 {strides = array<i32>} : memref<200x128xf32, #tpu.memory_space<vmem>>, vector<16xf32>,
      %sub3A_472 = arith.constant 1 : i32
      %sub3A_473 = vector.broadcast %sub3A_472 : i32 to vector<16xi32>
      %sub3A_474 = arith.subi %min3A_400, %sub3A_473 : vector<16xi32>
      %min3A_475 = vector.broadcast %scan3A : i32 to vector<16xi32>
      %min3A_476 = arith.minui %sub3A_474, %min3A_475 : vector<16xi32>
      %sub3A_477 = arith.constant 1 : i32
      %sub3A_478 = vector.broadcast %sub3A_477 : i32 to vector<16xi32>
      %sub3A_479 = arith.subi %min3A_405, %sub3A_478 : vector<16xi32>
      %min3A_480 = vector.broadcast %scan3A : i32 to vector<16xi32>
      %min3A_481 = arith.minui %sub3A_479, %min3A_480 : vector<16xi32>
      %sub3A_482 = arith.constant 1 : i32
      %sub3A_483 = vector.broadcast %sub3A_482 : i32 to vector<16xi32>
      %sub3A_484 = arith.subi %min3A_410, %sub3A_483 : vector<16xi32>
      %min3A_485 = vector.broadcast %scan3A : i32 to vector<16xi32>
      %min3A_486 = arith.minui %sub3A_484, %min3A_485 : vector<16xi32>
      %sub3A_487 = arith.constant 1 : i32
      %sub3A_488 = vector.broadcast %sub3A_487 : i32 to vector<16xi32>
      %sub3A_489 = arith.subi %min3A_415, %sub3A_488 : vector<16xi32>
      %min3A_490 = vector.broadcast %scan3A : i32 to vector<16xi32>
      %min3A_491 = arith.minui %sub3A_489, %min3A_490 : vector<16xi32>
      %sub3A_492 = arith.constant 1 : i32
      %sub3A_493 = vector.broadcast %sub3A_492 : i32 to vector<16xi32>
      %sub3A_494 = arith.subi %min3A_420, %sub3A_493 : vector<16xi32>
      %min3A_495 = vector.broadcast %scan3A : i32 to vector<16xi32>
      %min3A_496 = arith.minui %sub3A_494, %min3A_495 : vector<16xi32>
      %sub3A_497 = arith.constant 1 : i32
      %sub3A_498 = vector.broadcast %sub3A_497 : i32 to vector<16xi32>
      %sub3A_499 = arith.subi %min3A_425, %sub3A_498 : vector<16xi32>
      %min3A_500 = vector.broadcast %scan3A : i32 to vector<16xi32>
      %min3A_501 = arith.minui %sub3A_499, %min3A_500 : vector<16xi32>
      %sub3A_502 = arith.constant 1 : i32
      %sub3A_503 = vector.broadcast %sub3A_502 : i32 to vector<16xi32>
      %sub3A_504 = arith.subi %min3A_430, %sub3A_503 : vector<16xi32>
      %min3A_505 = vector.broadcast %scan3A : i32 to vector<16xi32>
      %min3A_506 = arith.minui %sub3A_504, %min3A_505 : vector<16xi32>
      %sub3A_507 = arith.constant 1 : i32
      %sub3A_508 = vector.broadcast %sub3A_507 : i32 to vector<16xi32>
      %sub3A_509 = arith.subi %min3A_435, %sub3A_508 : vector<16xi32>
      %min3A_510 = vector.broadcast %scan3A : i32 to vector<16xi32>
      %min3A_511 = arith.minui %sub3A_509, %min3A_510 : vector<16xi32>
      scf.yield %min3A_476, %min3A_481, %min3A_486, %min3A_491, %min3A_496, %min3A_501, %min3A_506, %min3A_511 : vector<16xi32>, vector<16xi32>, vector<16xi32>, vector<16xi32>, vector<16xi32>, vector<16xi32>, vector<16xi32>, vector<16xi32>
    }
    %scan3A_87 = arith.constant 100 : i32
    %add3A_88 = arith.constant 0 : i32
    %add3A_89 = arith.addi %mul3A_2, %add3A_88 : i32
    %dma_start3A_90 = arith.constant 0 : i32
    %dma_start3A_91 = tpu.memref_slice %arg5[%dma_start3A_90, %add3A_89] : memref<200x16384xf32, #tpu.memory_space<hbm>> -> memref<200x128xf32, #tpu.memory_space<hbm>>
    %dma_start3A_92 = arith.constant 0 : i32
    %dma_start3A_93 = tpu.memref_slice %arg5[%dma_start3A_92, %add3A_89] : memref<200x16384xf32, #tpu.memory_space<hbm>> -> memref<200x128xf32, #tpu.memory_space<hbm>>
    tpu.enqueue_dma source(%arg10 : memref<200x128xf32, #tpu.memory_space<vmem>>) target(%dma_start3A_93 : memref<200x128xf32, #tpu.memory_space<hbm>>) target_semaphore(%arg14 : memref<!tpu.dma_semaphore, #tpu.memory_space<semaphore_mem>>)
    %add3A_94 = arith.constant 256 : i32
    %add3A_95 = arith.addi %mul3A_2, %add3A_94 : i32
    %dma_start3A_96 = arith.constant 0 : i32
    %dma_start3A_97 = tpu.memref_slice %arg3[%dma_start3A_96, %add3A_95] : memref<200x16384xf32, #tpu.memory_space<hbm>> -> memref<200x128xf32, #tpu.memory_space<hbm>>
    %dma_start3A_98 = arith.constant 0 : i32
    %dma_start3A_99 = tpu.memref_slice %arg3[%dma_start3A_98, %add3A_95] : memref<200x16384xf32, #tpu.memory_space<hbm>> -> memref<200x128xf32, #tpu.memory_space<hbm>>
    tpu.enqueue_dma source(%dma_start3A_99 : memref<200x128xf32, #tpu.memory_space<hbm>>) target(%arg8 : memref<200x128xf32, #tpu.memory_space<vmem>>) target_semaphore(%arg12 : memref<!tpu.dma_semaphore, #tpu.memory_space<semaphore_mem>>)
    %add3A_100 = arith.constant 128 : i32
    %add3A_101 = arith.addi %mul3A_2, %add3A_100 : i32
    %dma_wait3A_102 = arith.constant 0 : i32
    %dma_wait3A_103 = tpu.memref_slice %arg3[%dma_wait3A_102, %add3A_101] : memref<200x16384xf32, #tpu.memory_space<hbm>> -> memref<200x128xf32, #tpu.memory_space<hbm>>
    %dma_wait3A_104 = arith.constant 0 : i32
    %dma_wait3A_105 = tpu.memref_slice %arg3[%dma_wait3A_104, %add3A_101] : memref<200x16384xf32, #tpu.memory_space<hbm>> -> memref<200x128xf32, #tpu.memory_space<hbm>>
    tpu.wait_dma2 semaphore(%arg13 : memref<!tpu.dma_semaphore, #tpu.memory_space<semaphore_mem>>) src(%dma_wait3A_105 : memref<200x128xf32, #tpu.memory_space<hbm>>) dst(%arg9 : memref<200x128xf32, #tpu.memory_space<vmem>>)
    %get3A_106 = arith.constant 128 : index
    %get3A_107 = tpu.vector_load %arg6[%get3A_106] {strides = array<i32>} : memref<512xi32, #tpu.memory_space<vmem>>, vector<16xi32>,
    %get3A_108 = arith.constant 128 : index
    %get3A_109 = tpu.vector_load %arg7[%get3A_108] {strides = array<i32>} : memref<512xf32, #tpu.memory_space<vmem>>, vector<16xf32>,
    %add3A_110 = arith.constant 0 : i32
    %add3A_111 = vector.broadcast %add3A_110 : i32 to vector<16xi32>
    %add3A_112 = arith.addi %add3A_111, %iota3A : vector<16xi32>
    tpu.vector_store_idx %arg9[%get3A_107, %add3A_112], %get3A_109 : memref<200x128xf32, #tpu.memory_space<vmem>>[vector<16xi32>, vector<16xi32>], vector<16xf32>,
    %get3A_113 = arith.constant 144 : index
    %get3A_114 = tpu.vector_load %arg6[%get3A_113] {strides = array<i32>} : memref<512xi32, #tpu.memory_space<vmem>>, vector<16xi32>,
    %get3A_115 = arith.constant 144 : index
    %get3A_116 = tpu.vector_load %arg7[%get3A_115] {strides = array<i32>} : memref<512xf32, #tpu.memory_space<vmem>>, vector<16xf32>,
    %add3A_117 = arith.constant 16 : i32
    %add3A_118 = vector.broadcast %add3A_117 : i32 to vector<16xi32>
    %add3A_119 = arith.addi %add3A_118, %iota3A : vector<16xi32>
    tpu.vector_store_idx %arg9[%get3A_114, %add3A_119], %get3A_116 : memref<200x128xf32, #tpu.memory_space<vmem>>[vector<16xi32>, vector<16xi32>], vector<16xf32>,
    %get3A_120 = arith.constant 160 : index
    %get3A_121 = tpu.vector_load %arg6[%get3A_120] {strides = array<i32>} : memref<512xi32, #tpu.memory_space<vmem>>, vector<16xi32>,
    %get3A_122 = arith.constant 160 : index
    %get3A_123 = tpu.vector_load %arg7[%get3A_122] {strides = array<i32>} : memref<512xf32, #tpu.memory_space<vmem>>, vector<16xf32>,
    %add3A_124 = arith.constant 32 : i32
    %add3A_125 = vector.broadcast %add3A_124 : i32 to vector<16xi32>
    %add3A_126 = arith.addi %add3A_125, %iota3A : vector<16xi32>
    tpu.vector_store_idx %arg9[%get3A_121, %add3A_126], %get3A_123 : memref<200x128xf32, #tpu.memory_space<vmem>>[vector<16xi32>, vector<16xi32>], vector<16xf32>,
    %get3A_127 = arith.constant 176 : index
    %get3A_128 = tpu.vector_load %arg6[%get3A_127] {strides = array<i32>} : memref<512xi32, #tpu.memory_space<vmem>>, vector<16xi32>,
    %get3A_129 = arith.constant 176 : index
    %get3A_130 = tpu.vector_load %arg7[%get3A_129] {strides = array<i32>} : memref<512xf32, #tpu.memory_space<vmem>>, vector<16xf32>,
    %add3A_131 = arith.constant 48 : i32
    %add3A_132 = vector.broadcast %add3A_131 : i32 to vector<16xi32>
    %add3A_133 = arith.addi %add3A_132, %iota3A : vector<16xi32>
    tpu.vector_store_idx %arg9[%get3A_128, %add3A_133], %get3A_130 : memref<200x128xf32, #tpu.memory_space<vmem>>[vector<16xi32>, vector<16xi32>], vector<16xf32>,
    %get3A_134 = arith.constant 192 : index
    %get3A_135 = tpu.vector_load %arg6[%get3A_134] {strides = array<i32>} : memref<512xi32, #tpu.memory_space<vmem>>, vector<16xi32>,
    %get3A_136 = arith.constant 192 : index
    %get3A_137 = tpu.vector_load %arg7[%get3A_136] {strides = array<i32>} : memref<512xf32, #tpu.memory_space<vmem>>, vector<16xf32>,
    %add3A_138 = arith.constant 64 : i32
    %add3A_139 = vector.broadcast %add3A_138 : i32 to vector<16xi32>
    %add3A_140 = arith.addi %add3A_139, %iota3A : vector<16xi32>
    tpu.vector_store_idx %arg9[%get3A_135, %add3A_140], %get3A_137 : memref<200x128xf32, #tpu.memory_space<vmem>>[vector<16xi32>, vector<16xi32>], vector<16xf32>,
    %get3A_141 = arith.constant 208 : index
    %get3A_142 = tpu.vector_load %arg6[%get3A_141] {strides = array<i32>} : memref<512xi32, #tpu.memory_space<vmem>>, vector<16xi32>,
    %get3A_143 = arith.constant 208 : index
    %get3A_144 = tpu.vector_load %arg7[%get3A_143] {strides = array<i32>} : memref<512xf32, #tpu.memory_space<vmem>>, vector<16xf32>,
    %add3A_145 = arith.constant 80 : i32
    %add3A_146 = vector.broadcast %add3A_145 : i32 to vector<16xi32>
    %add3A_147 = arith.addi %add3A_146, %iota3A : vector<16xi32>
    tpu.vector_store_idx %arg9[%get3A_142, %add3A_147], %get3A_144 : memref<200x128xf32, #tpu.memory_space<vmem>>[vector<16xi32>, vector<16xi32>], vector<16xf32>,
    %get3A_148 = arith.constant 224 : index
    %get3A_149 = tpu.vector_load %arg6[%get3A_148] {strides = array<i32>} : memref<512xi32, #tpu.memory_space<vmem>>, vector<16xi32>,
    %get3A_150 = arith.constant 224 : index
    %get3A_151 = tpu.vector_load %arg7[%get3A_150] {strides = array<i32>} : memref<512xf32, #tpu.memory_space<vmem>>, vector<16xf32>,
    %add3A_152 = arith.constant 96 : i32
    %add3A_153 = vector.broadcast %add3A_152 : i32 to vector<16xi32>
    %add3A_154 = arith.addi %add3A_153, %iota3A : vector<16xi32>
    tpu.vector_store_idx %arg9[%get3A_149, %add3A_154], %get3A_151 : memref<200x128xf32, #tpu.memory_space<vmem>>[vector<16xi32>, vector<16xi32>], vector<16xf32>,
    %get3A_155 = arith.constant 240 : index
    %get3A_156 = tpu.vector_load %arg6[%get3A_155] {strides = array<i32>} : memref<512xi32, #tpu.memory_space<vmem>>, vector<16xi32>,
    %get3A_157 = arith.constant 240 : index
    %get3A_158 = tpu.vector_load %arg7[%get3A_157] {strides = array<i32>} : memref<512xf32, #tpu.memory_space<vmem>>, vector<16xf32>,
    %add3A_159 = arith.constant 112 : i32
    %add3A_160 = vector.broadcast %add3A_159 : i32 to vector<16xi32>
    %add3A_161 = arith.addi %add3A_160, %iota3A : vector<16xi32>
    tpu.vector_store_idx %arg9[%get3A_156, %add3A_161], %get3A_158 : memref<200x128xf32, #tpu.memory_space<vmem>>[vector<16xi32>, vector<16xi32>], vector<16xf32>,
    %scan3A_162 = arith.constant 199 : i32
    %scan3A_163 = arith.constant 0 : i32
    %scan3A_164 = arith.constant 100 : i32
    %scan3A_165 = arith.addi %scan3A_163, %scan3A_164 : i32
    %scan3A_166 = arith.constant 1 : i32
    %scan3A_167:8 = scf.for %scan3A_355 = %scan3A_163 to %scan3A_165 step %scan3A_166 iter_args(%scan3A_356 = %get3A_107, %scan3A_357 = %get3A_114, %scan3A_358 = %get3A_121, %scan3A_359 = %get3A_128, %scan3A_360 = %get3A_135, %scan3A_361 = %get3A_142, %scan3A_362 = %get3A_149, %scan3A_363 = %get3A_156) -> (vector<16xi32>, vector<16xi32>, vector<16xi32>, vector<16xi32>, vector<16xi32>, vector<16xi32>, vector<16xi32>, vector<16xi32>)  : i32 {
      %mul3A_364 = arith.constant 2 : i32
      %mul3A_365 = arith.muli %scan3A_355, %mul3A_364 : i32
      %add3A_366 = arith.constant 0 : i32
      %add3A_367 = arith.addi %mul3A_365, %add3A_366 : i32
      %gather3A = tpu.vector_load_idx %arg9[%scan3A_356, %add3A_112] : memref<200x128xf32, #tpu.memory_space<vmem>>[vector<16xi32>, vector<16xi32>], vector<16xf32>,
      %gather3A_368 = tpu.vector_load_idx %arg9[%scan3A_357, %add3A_119] : memref<200x128xf32, #tpu.memory_space<vmem>>[vector<16xi32>, vector<16xi32>], vector<16xf32>,
      %gather3A_369 = tpu.vector_load_idx %arg9[%scan3A_358, %add3A_126] : memref<200x128xf32, #tpu.memory_space<vmem>>[vector<16xi32>, vector<16xi32>], vector<16xf32>,
      %gather3A_370 = tpu.vector_load_idx %arg9[%scan3A_359, %add3A_133] : memref<200x128xf32, #tpu.memory_space<vmem>>[vector<16xi32>, vector<16xi32>], vector<16xf32>,
      %gather3A_371 = tpu.vector_load_idx %arg9[%scan3A_360, %add3A_140] : memref<200x128xf32, #tpu.memory_space<vmem>>[vector<16xi32>, vector<16xi32>], vector<16xf32>,
      %gather3A_372 = tpu.vector_load_idx %arg9[%scan3A_361, %add3A_147] : memref<200x128xf32, #tpu.memory_space<vmem>>[vector<16xi32>, vector<16xi32>], vector<16xf32>,
      %gather3A_373 = tpu.vector_load_idx %arg9[%scan3A_362, %add3A_154] : memref<200x128xf32, #tpu.memory_space<vmem>>[vector<16xi32>, vector<16xi32>], vector<16xf32>,
      %gather3A_374 = tpu.vector_load_idx %arg9[%scan3A_363, %add3A_161] : memref<200x128xf32, #tpu.memory_space<vmem>>[vector<16xi32>, vector<16xi32>], vector<16xf32>,
      %swap3A = arith.index_cast %add3A_367 : i32 to index
      %swap3A_375 = arith.constant 0 : index
      %swap3A_376 = tpu.vector_load %arg11[%swap3A, %swap3A_375] {strides = array<i32>} : memref<200x128xf32, #tpu.memory_space<vmem>>, vector<16xf32>,
      tpu.vector_store %arg11[%swap3A, %swap3A_375], %gather3A {strides = array<i32>} : memref<200x128xf32, #tpu.memory_space<vmem>>, vector<16xf32>,
      %swap3A_377 = arith.index_cast %add3A_367 : i32 to index
      %swap3A_378 = arith.constant 16 : index
      %swap3A_379 = tpu.vector_load %arg11[%swap3A_377, %swap3A_378] {strides = array<i32>} : memref<200x128xf32, #tpu.memory_space<vmem>>, vector<16xf32>,
      tpu.vector_store %arg11[%swap3A_377, %swap3A_378], %gather3A_368 {strides = array<i32>} : memref<200x128xf32, #tpu.memory_space<vmem>>, vector<16xf32>,
      %swap3A_380 = arith.index_cast %add3A_367 : i32 to index
      %swap3A_381 = arith.constant 32 : index
      %swap3A_382 = tpu.vector_load %arg11[%swap3A_380, %swap3A_381] {strides = array<i32>} : memref<200x128xf32, #tpu.memory_space<vmem>>, vector<16xf32>,
      tpu.vector_store %arg11[%swap3A_380, %swap3A_381], %gather3A_369 {strides = array<i32>} : memref<200x128xf32, #tpu.memory_space<vmem>>, vector<16xf32>,
      %swap3A_383 = arith.index_cast %add3A_367 : i32 to index
      %swap3A_384 = arith.constant 48 : index
      %swap3A_385 = tpu.vector_load %arg11[%swap3A_383, %swap3A_384] {strides = array<i32>} : memref<200x128xf32, #tpu.memory_space<vmem>>, vector<16xf32>,
      tpu.vector_store %arg11[%swap3A_383, %swap3A_384], %gather3A_370 {strides = array<i32>} : memref<200x128xf32, #tpu.memory_space<vmem>>, vector<16xf32>,
      %swap3A_386 = arith.index_cast %add3A_367 : i32 to index
      %swap3A_387 = arith.constant 64 : index
      %swap3A_388 = tpu.vector_load %arg11[%swap3A_386, %swap3A_387] {strides = array<i32>} : memref<200x128xf32, #tpu.memory_space<vmem>>, vector<16xf32>,
      tpu.vector_store %arg11[%swap3A_386, %swap3A_387], %gather3A_371 {strides = array<i32>} : memref<200x128xf32, #tpu.memory_space<vmem>>, vector<16xf32>,
      %swap3A_389 = arith.index_cast %add3A_367 : i32 to index
      %swap3A_390 = arith.constant 80 : index
      %swap3A_391 = tpu.vector_load %arg11[%swap3A_389, %swap3A_390] {strides = array<i32>} : memref<200x128xf32, #tpu.memory_space<vmem>>, vector<16xf32>,
      tpu.vector_store %arg11[%swap3A_389, %swap3A_390], %gather3A_372 {strides = array<i32>} : memref<200x128xf32, #tpu.memory_space<vmem>>, vector<16xf32>,
      %swap3A_392 = arith.index_cast %add3A_367 : i32 to index
      %swap3A_393 = arith.constant 96 : index
      %swap3A_394 = tpu.vector_load %arg11[%swap3A_392, %swap3A_393] {strides = array<i32>} : memref<200x128xf32, #tpu.memory_space<vmem>>, vector<16xf32>,
      tpu.vector_store %arg11[%swap3A_392, %swap3A_393], %gather3A_373 {strides = array<i32>} : memref<200x128xf32, #tpu.memory_space<vmem>>, vector<16xf32>,
      %swap3A_395 = arith.index_cast %add3A_367 : i32 to index
      %swap3A_396 = arith.constant 112 : index
      %swap3A_397 = tpu.vector_load %arg11[%swap3A_395, %swap3A_396] {strides = array<i32>} : memref<200x128xf32, #tpu.memory_space<vmem>>, vector<16xf32>,
      tpu.vector_store %arg11[%swap3A_395, %swap3A_396], %gather3A_374 {strides = array<i32>} : memref<200x128xf32, #tpu.memory_space<vmem>>, vector<16xf32>,
      %sub3A = arith.constant 1 : i32
      %sub3A_398 = vector.broadcast %sub3A : i32 to vector<16xi32>
      %sub3A_399 = arith.subi %scan3A_356, %sub3A_398 : vector<16xi32>
      %min3A = vector.broadcast %scan3A_162 : i32 to vector<16xi32>
      %min3A_400 = arith.minui %sub3A_399, %min3A : vector<16xi32>
      %sub3A_401 = arith.constant 1 : i32
      %sub3A_402 = vector.broadcast %sub3A_401 : i32 to vector<16xi32>
      %sub3A_403 = arith.subi %scan3A_357, %sub3A_402 : vector<16xi32>
      %min3A_404 = vector.broadcast %scan3A_162 : i32 to vector<16xi32>
      %min3A_405 = arith.minui %sub3A_403, %min3A_404 : vector<16xi32>
      %sub3A_406 = arith.constant 1 : i32
      %sub3A_407 = vector.broadcast %sub3A_406 : i32 to vector<16xi32>
      %sub3A_408 = arith.subi %scan3A_358, %sub3A_407 : vector<16xi32>
      %min3A_409 = vector.broadcast %scan3A_162 : i32 to vector<16xi32>
      %min3A_410 = arith.minui %sub3A_408, %min3A_409 : vector<16xi32>
      %sub3A_411 = arith.constant 1 : i32
      %sub3A_412 = vector.broadcast %sub3A_411 : i32 to vector<16xi32>
      %sub3A_413 = arith.subi %scan3A_359, %sub3A_412 : vector<16xi32>
      %min3A_414 = vector.broadcast %scan3A_162 : i32 to vector<16xi32>
      %min3A_415 = arith.minui %sub3A_413, %min3A_414 : vector<16xi32>
      %sub3A_416 = arith.constant 1 : i32
      %sub3A_417 = vector.broadcast %sub3A_416 : i32 to vector<16xi32>
      %sub3A_418 = arith.subi %scan3A_360, %sub3A_417 : vector<16xi32>
      %min3A_419 = vector.broadcast %scan3A_162 : i32 to vector<16xi32>
      %min3A_420 = arith.minui %sub3A_418, %min3A_419 : vector<16xi32>
      %sub3A_421 = arith.constant 1 : i32
      %sub3A_422 = vector.broadcast %sub3A_421 : i32 to vector<16xi32>
      %sub3A_423 = arith.subi %scan3A_361, %sub3A_422 : vector<16xi32>
      %min3A_424 = vector.broadcast %scan3A_162 : i32 to vector<16xi32>
      %min3A_425 = arith.minui %sub3A_423, %min3A_424 : vector<16xi32>
      %sub3A_426 = arith.constant 1 : i32
      %sub3A_427 = vector.broadcast %sub3A_426 : i32 to vector<16xi32>
      %sub3A_428 = arith.subi %scan3A_362, %sub3A_427 : vector<16xi32>
      %min3A_429 = vector.broadcast %scan3A_162 : i32 to vector<16xi32>
      %min3A_430 = arith.minui %sub3A_428, %min3A_429 : vector<16xi32>
      %sub3A_431 = arith.constant 1 : i32
      %sub3A_432 = vector.broadcast %sub3A_431 : i32 to vector<16xi32>
      %sub3A_433 = arith.subi %scan3A_363, %sub3A_432 : vector<16xi32>
      %min3A_434 = vector.broadcast %scan3A_162 : i32 to vector<16xi32>
      %min3A_435 = arith.minui %sub3A_433, %min3A_434 : vector<16xi32>
      %mul3A_436 = arith.constant 2 : i32
      %mul3A_437 = arith.muli %scan3A_355, %mul3A_436 : i32
      %add3A_438 = arith.constant 1 : i32
      %add3A_439 = arith.addi %mul3A_437, %add3A_438 : i32
      %gather3A_440 = tpu.vector_load_idx %arg9[%min3A_400, %add3A_112] : memref<200x128xf32, #tpu.memory_space<vmem>>[vector<16xi32>, vector<16xi32>], vector<16xf32>,
      %gather3A_441 = tpu.vector_load_idx %arg9[%min3A_405, %add3A_119] : memref<200x128xf32, #tpu.memory_space<vmem>>[vector<16xi32>, vector<16xi32>], vector<16xf32>,
      %gather3A_442 = tpu.vector_load_idx %arg9[%min3A_410, %add3A_126] : memref<200x128xf32, #tpu.memory_space<vmem>>[vector<16xi32>, vector<16xi32>], vector<16xf32>,
      %gather3A_443 = tpu.vector_load_idx %arg9[%min3A_415, %add3A_133] : memref<200x128xf32, #tpu.memory_space<vmem>>[vector<16xi32>, vector<16xi32>], vector<16xf32>,
      %gather3A_444 = tpu.vector_load_idx %arg9[%min3A_420, %add3A_140] : memref<200x128xf32, #tpu.memory_space<vmem>>[vector<16xi32>, vector<16xi32>], vector<16xf32>,
      %gather3A_445 = tpu.vector_load_idx %arg9[%min3A_425, %add3A_147] : memref<200x128xf32, #tpu.memory_space<vmem>>[vector<16xi32>, vector<16xi32>], vector<16xf32>,
      %gather3A_446 = tpu.vector_load_idx %arg9[%min3A_430, %add3A_154] : memref<200x128xf32, #tpu.memory_space<vmem>>[vector<16xi32>, vector<16xi32>], vector<16xf32>,
      %gather3A_447 = tpu.vector_load_idx %arg9[%min3A_435, %add3A_161] : memref<200x128xf32, #tpu.memory_space<vmem>>[vector<16xi32>, vector<16xi32>], vector<16xf32>,
      %swap3A_448 = arith.index_cast %add3A_439 : i32 to index
      %swap3A_449 = arith.constant 0 : index
      %swap3A_450 = tpu.vector_load %arg11[%swap3A_448, %swap3A_449] {strides = array<i32>} : memref<200x128xf32, #tpu.memory_space<vmem>>, vector<16xf32>,
      tpu.vector_store %arg11[%swap3A_448, %swap3A_449], %gather3A_440 {strides = array<i32>} : memref<200x128xf32, #tpu.memory_space<vmem>>, vector<16xf32>,
      %swap3A_451 = arith.index_cast %add3A_439 : i32 to index
      %swap3A_452 = arith.constant 16 : index
      %swap3A_453 = tpu.vector_load %arg11[%swap3A_451, %swap3A_452] {strides = array<i32>} : memref<200x128xf32, #tpu.memory_space<vmem>>, vector<16xf32>,
      tpu.vector_store %arg11[%swap3A_451, %swap3A_452], %gather3A_441 {strides = array<i32>} : memref<200x128xf32, #tpu.memory_space<vmem>>, vector<16xf32>,
      %swap3A_454 = arith.index_cast %add3A_439 : i32 to index
      %swap3A_455 = arith.constant 32 : index
      %swap3A_456 = tpu.vector_load %arg11[%swap3A_454, %swap3A_455] {strides = array<i32>} : memref<200x128xf32, #tpu.memory_space<vmem>>, vector<16xf32>,
      tpu.vector_store %arg11[%swap3A_454, %swap3A_455], %gather3A_442 {strides = array<i32>} : memref<200x128xf32, #tpu.memory_space<vmem>>, vector<16xf32>,
      %swap3A_457 = arith.index_cast %add3A_439 : i32 to index
      %swap3A_458 = arith.constant 48 : index
      %swap3A_459 = tpu.vector_load %arg11[%swap3A_457, %swap3A_458] {strides = array<i32>} : memref<200x128xf32, #tpu.memory_space<vmem>>, vector<16xf32>,
      tpu.vector_store %arg11[%swap3A_457, %swap3A_458], %gather3A_443 {strides = array<i32>} : memref<200x128xf32, #tpu.memory_space<vmem>>, vector<16xf32>,
      %swap3A_460 = arith.index_cast %add3A_439 : i32 to index
      %swap3A_461 = arith.constant 64 : index
      %swap3A_462 = tpu.vector_load %arg11[%swap3A_460, %swap3A_461] {strides = array<i32>} : memref<200x128xf32, #tpu.memory_space<vmem>>, vector<16xf32>,
      tpu.vector_store %arg11[%swap3A_460, %swap3A_461], %gather3A_444 {strides = array<i32>} : memref<200x128xf32, #tpu.memory_space<vmem>>, vector<16xf32>,
      %swap3A_463 = arith.index_cast %add3A_439 : i32 to index
      %swap3A_464 = arith.constant 80 : index
      %swap3A_465 = tpu.vector_load %arg11[%swap3A_463, %swap3A_464] {strides = array<i32>} : memref<200x128xf32, #tpu.memory_space<vmem>>, vector<16xf32>,
      tpu.vector_store %arg11[%swap3A_463, %swap3A_464], %gather3A_445 {strides = array<i32>} : memref<200x128xf32, #tpu.memory_space<vmem>>, vector<16xf32>,
      %swap3A_466 = arith.index_cast %add3A_439 : i32 to index
      %swap3A_467 = arith.constant 96 : index
      %swap3A_468 = tpu.vector_load %arg11[%swap3A_466, %swap3A_467] {strides = array<i32>} : memref<200x128xf32, #tpu.memory_space<vmem>>, vector<16xf32>,
      tpu.vector_store %arg11[%swap3A_466, %swap3A_467], %gather3A_446 {strides = array<i32>} : memref<200x128xf32, #tpu.memory_space<vmem>>, vector<16xf32>,
      %swap3A_469 = arith.index_cast %add3A_439 : i32 to index
      %swap3A_470 = arith.constant 112 : index
      %swap3A_471 = tpu.vector_load %arg11[%swap3A_469, %swap3A_470] {strides = array<i32>} : memref<200x128xf32, #tpu.memory_space<vmem>>, vector<16xf32>,
      tpu.vector_store %arg11[%swap3A_469, %swap3A_470], %gather3A_447 {strides = array<i32>} : memref<200x128xf32, #tpu.memory_space<vmem>>, vector<16xf32>,
      %sub3A_472 = arith.constant 1 : i32
      %sub3A_473 = vector.broadcast %sub3A_472 : i32 to vector<16xi32>
      %sub3A_474 = arith.subi %min3A_400, %sub3A_473 : vector<16xi32>
      %min3A_475 = vector.broadcast %scan3A_162 : i32 to vector<16xi32>
      %min3A_476 = arith.minui %sub3A_474, %min3A_475 : vector<16xi32>
      %sub3A_477 = arith.constant 1 : i32
      %sub3A_478 = vector.broadcast %sub3A_477 : i32 to vector<16xi32>
      %sub3A_479 = arith.subi %min3A_405, %sub3A_478 : vector<16xi32>
      %min3A_480 = vector.broadcast %scan3A_162 : i32 to vector<16xi32>
      %min3A_481 = arith.minui %sub3A_479, %min3A_480 : vector<16xi32>
      %sub3A_482 = arith.constant 1 : i32
      %sub3A_483 = vector.broadcast %sub3A_482 : i32 to vector<16xi32>
      %sub3A_484 = arith.subi %min3A_410, %sub3A_483 : vector<16xi32>
      %min3A_485 = vector.broadcast %scan3A_162 : i32 to vector<16xi32>
      %min3A_486 = arith.minui %sub3A_484, %min3A_485 : vector<16xi32>
      %sub3A_487 = arith.constant 1 : i32
      %sub3A_488 = vector.broadcast %sub3A_487 : i32 to vector<16xi32>
      %sub3A_489 = arith.subi %min3A_415, %sub3A_488 : vector<16xi32>
      %min3A_490 = vector.broadcast %scan3A_162 : i32 to vector<16xi32>
      %min3A_491 = arith.minui %sub3A_489, %min3A_490 : vector<16xi32>
      %sub3A_492 = arith.constant 1 : i32
      %sub3A_493 = vector.broadcast %sub3A_492 : i32 to vector<16xi32>
      %sub3A_494 = arith.subi %min3A_420, %sub3A_493 : vector<16xi32>
      %min3A_495 = vector.broadcast %scan3A_162 : i32 to vector<16xi32>
      %min3A_496 = arith.minui %sub3A_494, %min3A_495 : vector<16xi32>
      %sub3A_497 = arith.constant 1 : i32
      %sub3A_498 = vector.broadcast %sub3A_497 : i32 to vector<16xi32>
      %sub3A_499 = arith.subi %min3A_425, %sub3A_498 : vector<16xi32>
      %min3A_500 = vector.broadcast %scan3A_162 : i32 to vector<16xi32>
      %min3A_501 = arith.minui %sub3A_499, %min3A_500 : vector<16xi32>
      %sub3A_502 = arith.constant 1 : i32
      %sub3A_503 = vector.broadcast %sub3A_502 : i32 to vector<16xi32>
      %sub3A_504 = arith.subi %min3A_430, %sub3A_503 : vector<16xi32>
      %min3A_505 = vector.broadcast %scan3A_162 : i32 to vector<16xi32>
      %min3A_506 = arith.minui %sub3A_504, %min3A_505 : vector<16xi32>
      %sub3A_507 = arith.constant 1 : i32
      %sub3A_508 = vector.broadcast %sub3A_507 : i32 to vector<16xi32>
      %sub3A_509 = arith.subi %min3A_435, %sub3A_508 : vector<16xi32>
      %min3A_510 = vector.broadcast %scan3A_162 : i32 to vector<16xi32>
      %min3A_511 = arith.minui %sub3A_509, %min3A_510 : vector<16xi32>
      scf.yield %min3A_476, %min3A_481, %min3A_486, %min3A_491, %min3A_496, %min3A_501, %min3A_506, %min3A_511 : vector<16xi32>, vector<16xi32>, vector<16xi32>, vector<16xi32>, vector<16xi32>, vector<16xi32>, vector<16xi32>, vector<16xi32>
    }
    %scan3A_168 = arith.constant 100 : i32
    %add3A_169 = arith.constant 128 : i32
    %add3A_170 = arith.addi %mul3A_2, %add3A_169 : i32
    %dma_start3A_171 = arith.constant 0 : i32
    %dma_start3A_172 = tpu.memref_slice %arg5[%dma_start3A_171, %add3A_170] : memref<200x16384xf32, #tpu.memory_space<hbm>> -> memref<200x128xf32, #tpu.memory_space<hbm>>
    %dma_start3A_173 = arith.constant 0 : i32
    %dma_start3A_174 = tpu.memref_slice %arg5[%dma_start3A_173, %add3A_170] : memref<200x16384xf32, #tpu.memory_space<hbm>> -> memref<200x128xf32, #tpu.memory_space<hbm>>
    tpu.enqueue_dma source(%arg11 : memref<200x128xf32, #tpu.memory_space<vmem>>) target(%dma_start3A_174 : memref<200x128xf32, #tpu.memory_space<hbm>>) target_semaphore(%arg15 : memref<!tpu.dma_semaphore, #tpu.memory_space<semaphore_mem>>)
    %add3A_175 = arith.constant 384 : i32
    %add3A_176 = arith.addi %mul3A_2, %add3A_175 : i32
    %dma_start3A_177 = arith.constant 0 : i32
    %dma_start3A_178 = tpu.memref_slice %arg3[%dma_start3A_177, %add3A_176] : memref<200x16384xf32, #tpu.memory_space<hbm>> -> memref<200x128xf32, #tpu.memory_space<hbm>>
    %dma_start3A_179 = arith.constant 0 : i32
    %dma_start3A_180 = tpu.memref_slice %arg3[%dma_start3A_179, %add3A_176] : memref<200x16384xf32, #tpu.memory_space<hbm>> -> memref<200x128xf32, #tpu.memory_space<hbm>>
    tpu.enqueue_dma source(%dma_start3A_180 : memref<200x128xf32, #tpu.memory_space<hbm>>) target(%arg9 : memref<200x128xf32, #tpu.memory_space<vmem>>) target_semaphore(%arg13 : memref<!tpu.dma_semaphore, #tpu.memory_space<semaphore_mem>>)
    %add3A_181 = arith.constant 256 : i32
    %add3A_182 = arith.addi %mul3A_2, %add3A_181 : i32
    %dma_wait3A_183 = arith.constant 0 : i32
    %dma_wait3A_184 = tpu.memref_slice %arg3[%dma_wait3A_183, %add3A_182] : memref<200x16384xf32, #tpu.memory_space<hbm>> -> memref<200x128xf32, #tpu.memory_space<hbm>>
    %dma_wait3A_185 = arith.constant 0 : i32
    %dma_wait3A_186 = tpu.memref_slice %arg3[%dma_wait3A_185, %add3A_182] : memref<200x16384xf32, #tpu.memory_space<hbm>> -> memref<200x128xf32, #tpu.memory_space<hbm>>
    tpu.wait_dma2 semaphore(%arg12 : memref<!tpu.dma_semaphore, #tpu.memory_space<semaphore_mem>>) src(%dma_wait3A_186 : memref<200x128xf32, #tpu.memory_space<hbm>>) dst(%arg8 : memref<200x128xf32, #tpu.memory_space<vmem>>)
    %add3A_187 = arith.constant 0 : i32
    %add3A_188 = arith.addi %mul3A_2, %add3A_187 : i32
    %dma_wait3A_189 = arith.constant 0 : i32
    %dma_wait3A_190 = tpu.memref_slice %arg5[%dma_wait3A_189, %add3A_188] : memref<200x16384xf32, #tpu.memory_space<hbm>> -> memref<200x128xf32, #tpu.memory_space<hbm>>
    %dma_wait3A_191 = arith.constant 0 : i32
    %dma_wait3A_192 = tpu.memref_slice %arg5[%dma_wait3A_191, %add3A_188] : memref<200x16384xf32, #tpu.memory_space<hbm>> -> memref<200x128xf32, #tpu.memory_space<hbm>>
    tpu.wait_dma2 semaphore(%arg14 : memref<!tpu.dma_semaphore, #tpu.memory_space<semaphore_mem>>) src(%arg10 : memref<200x128xf32, #tpu.memory_space<vmem>>) dst(%dma_wait3A_192 : memref<200x128xf32, #tpu.memory_space<hbm>>)
    %get3A_193 = arith.constant 256 : index
    %get3A_194 = tpu.vector_load %arg6[%get3A_193] {strides = array<i32>} : memref<512xi32, #tpu.memory_space<vmem>>, vector<16xi32>,
    %get3A_195 = arith.constant 256 : index
    %get3A_196 = tpu.vector_load %arg7[%get3A_195] {strides = array<i32>} : memref<512xf32, #tpu.memory_space<vmem>>, vector<16xf32>,
    %add3A_197 = arith.constant 0 : i32
    %add3A_198 = vector.broadcast %add3A_197 : i32 to vector<16xi32>
    %add3A_199 = arith.addi %add3A_198, %iota3A : vector<16xi32>
    tpu.vector_store_idx %arg8[%get3A_194, %add3A_199], %get3A_196 : memref<200x128xf32, #tpu.memory_space<vmem>>[vector<16xi32>, vector<16xi32>], vector<16xf32>,
    %get3A_200 = arith.constant 272 : index
    %get3A_201 = tpu.vector_load %arg6[%get3A_200] {strides = array<i32>} : memref<512xi32, #tpu.memory_space<vmem>>, vector<16xi32>,
    %get3A_202 = arith.constant 272 : index
    %get3A_203 = tpu.vector_load %arg7[%get3A_202] {strides = array<i32>} : memref<512xf32, #tpu.memory_space<vmem>>, vector<16xf32>,
    %add3A_204 = arith.constant 16 : i32
    %add3A_205 = vector.broadcast %add3A_204 : i32 to vector<16xi32>
    %add3A_206 = arith.addi %add3A_205, %iota3A : vector<16xi32>
    tpu.vector_store_idx %arg8[%get3A_201, %add3A_206], %get3A_203 : memref<200x128xf32, #tpu.memory_space<vmem>>[vector<16xi32>, vector<16xi32>], vector<16xf32>,
    %get3A_207 = arith.constant 288 : index
    %get3A_208 = tpu.vector_load %arg6[%get3A_207] {strides = array<i32>} : memref<512xi32, #tpu.memory_space<vmem>>, vector<16xi32>,
    %get3A_209 = arith.constant 288 : index
    %get3A_210 = tpu.vector_load %arg7[%get3A_209] {strides = array<i32>} : memref<512xf32, #tpu.memory_space<vmem>>, vector<16xf32>,
    %add3A_211 = arith.constant 32 : i32
    %add3A_212 = vector.broadcast %add3A_211 : i32 to vector<16xi32>
    %add3A_213 = arith.addi %add3A_212, %iota3A : vector<16xi32>
    tpu.vector_store_idx %arg8[%get3A_208, %add3A_213], %get3A_210 : memref<200x128xf32, #tpu.memory_space<vmem>>[vector<16xi32>, vector<16xi32>], vector<16xf32>,
    %get3A_214 = arith.constant 304 : index
    %get3A_215 = tpu.vector_load %arg6[%get3A_214] {strides = array<i32>} : memref<512xi32, #tpu.memory_space<vmem>>, vector<16xi32>,
    %get3A_216 = arith.constant 304 : index
    %get3A_217 = tpu.vector_load %arg7[%get3A_216] {strides = array<i32>} : memref<512xf32, #tpu.memory_space<vmem>>, vector<16xf32>,
    %add3A_218 = arith.constant 48 : i32
    %add3A_219 = vector.broadcast %add3A_218 : i32 to vector<16xi32>
    %add3A_220 = arith.addi %add3A_219, %iota3A : vector<16xi32>
    tpu.vector_store_idx %arg8[%get3A_215, %add3A_220], %get3A_217 : memref<200x128xf32, #tpu.memory_space<vmem>>[vector<16xi32>, vector<16xi32>], vector<16xf32>,
    %get3A_221 = arith.constant 320 : index
    %get3A_222 = tpu.vector_load %arg6[%get3A_221] {strides = array<i32>} : memref<512xi32, #tpu.memory_space<vmem>>, vector<16xi32>,
    %get3A_223 = arith.constant 320 : index
    %get3A_224 = tpu.vector_load %arg7[%get3A_223] {strides = array<i32>} : memref<512xf32, #tpu.memory_space<vmem>>, vector<16xf32>,
    %add3A_225 = arith.constant 64 : i32
    %add3A_226 = vector.broadcast %add3A_225 : i32 to vector<16xi32>
    %add3A_227 = arith.addi %add3A_226, %iota3A : vector<16xi32>
    tpu.vector_store_idx %arg8[%get3A_222, %add3A_227], %get3A_224 : memref<200x128xf32, #tpu.memory_space<vmem>>[vector<16xi32>, vector<16xi32>], vector<16xf32>,
    %get3A_228 = arith.constant 336 : index
    %get3A_229 = tpu.vector_load %arg6[%get3A_228] {strides = array<i32>} : memref<512xi32, #tpu.memory_space<vmem>>, vector<16xi32>,
    %get3A_230 = arith.constant 336 : index
    %get3A_231 = tpu.vector_load %arg7[%get3A_230] {strides = array<i32>} : memref<512xf32, #tpu.memory_space<vmem>>, vector<16xf32>,
    %add3A_232 = arith.constant 80 : i32
    %add3A_233 = vector.broadcast %add3A_232 : i32 to vector<16xi32>
    %add3A_234 = arith.addi %add3A_233, %iota3A : vector<16xi32>
    tpu.vector_store_idx %arg8[%get3A_229, %add3A_234], %get3A_231 : memref<200x128xf32, #tpu.memory_space<vmem>>[vector<16xi32>, vector<16xi32>], vector<16xf32>,
    %get3A_235 = arith.constant 352 : index
    %get3A_236 = tpu.vector_load %arg6[%get3A_235] {strides = array<i32>} : memref<512xi32, #tpu.memory_space<vmem>>, vector<16xi32>,
    %get3A_237 = arith.constant 352 : index
    %get3A_238 = tpu.vector_load %arg7[%get3A_237] {strides = array<i32>} : memref<512xf32, #tpu.memory_space<vmem>>, vector<16xf32>,
    %add3A_239 = arith.constant 96 : i32
    %add3A_240 = vector.broadcast %add3A_239 : i32 to vector<16xi32>
    %add3A_241 = arith.addi %add3A_240, %iota3A : vector<16xi32>
    tpu.vector_store_idx %arg8[%get3A_236, %add3A_241], %get3A_238 : memref<200x128xf32, #tpu.memory_space<vmem>>[vector<16xi32>, vector<16xi32>], vector<16xf32>,
    %get3A_242 = arith.constant 368 : index
    %get3A_243 = tpu.vector_load %arg6[%get3A_242] {strides = array<i32>} : memref<512xi32, #tpu.memory_space<vmem>>, vector<16xi32>,
    %get3A_244 = arith.constant 368 : index
    %get3A_245 = tpu.vector_load %arg7[%get3A_244] {strides = array<i32>} : memref<512xf32, #tpu.memory_space<vmem>>, vector<16xf32>,
    %add3A_246 = arith.constant 112 : i32
    %add3A_247 = vector.broadcast %add3A_246 : i32 to vector<16xi32>
    %add3A_248 = arith.addi %add3A_247, %iota3A : vector<16xi32>
    tpu.vector_store_idx %arg8[%get3A_243, %add3A_248], %get3A_245 : memref<200x128xf32, #tpu.memory_space<vmem>>[vector<16xi32>, vector<16xi32>], vector<16xf32>,
    %scan3A_249 = arith.constant 199 : i32
    %scan3A_250 = arith.constant 0 : i32
    %scan3A_251 = arith.constant 100 : i32
    %scan3A_252 = arith.addi %scan3A_250, %scan3A_251 : i32
    %scan3A_253 = arith.constant 1 : i32
    %scan3A_254:8 = scf.for %scan3A_355 = %scan3A_250 to %scan3A_252 step %scan3A_253 iter_args(%scan3A_356 = %get3A_194, %scan3A_357 = %get3A_201, %scan3A_358 = %get3A_208, %scan3A_359 = %get3A_215, %scan3A_360 = %get3A_222, %scan3A_361 = %get3A_229, %scan3A_362 = %get3A_236, %scan3A_363 = %get3A_243) -> (vector<16xi32>, vector<16xi32>, vector<16xi32>, vector<16xi32>, vector<16xi32>, vector<16xi32>, vector<16xi32>, vector<16xi32>)  : i32 {
      %mul3A_364 = arith.constant 2 : i32
      %mul3A_365 = arith.muli %scan3A_355, %mul3A_364 : i32
      %add3A_366 = arith.constant 0 : i32
      %add3A_367 = arith.addi %mul3A_365, %add3A_366 : i32
      %gather3A = tpu.vector_load_idx %arg8[%scan3A_356, %add3A_199] : memref<200x128xf32, #tpu.memory_space<vmem>>[vector<16xi32>, vector<16xi32>], vector<16xf32>,
      %gather3A_368 = tpu.vector_load_idx %arg8[%scan3A_357, %add3A_206] : memref<200x128xf32, #tpu.memory_space<vmem>>[vector<16xi32>, vector<16xi32>], vector<16xf32>,
      %gather3A_369 = tpu.vector_load_idx %arg8[%scan3A_358, %add3A_213] : memref<200x128xf32, #tpu.memory_space<vmem>>[vector<16xi32>, vector<16xi32>], vector<16xf32>,
      %gather3A_370 = tpu.vector_load_idx %arg8[%scan3A_359, %add3A_220] : memref<200x128xf32, #tpu.memory_space<vmem>>[vector<16xi32>, vector<16xi32>], vector<16xf32>,
      %gather3A_371 = tpu.vector_load_idx %arg8[%scan3A_360, %add3A_227] : memref<200x128xf32, #tpu.memory_space<vmem>>[vector<16xi32>, vector<16xi32>], vector<16xf32>,
      %gather3A_372 = tpu.vector_load_idx %arg8[%scan3A_361, %add3A_234] : memref<200x128xf32, #tpu.memory_space<vmem>>[vector<16xi32>, vector<16xi32>], vector<16xf32>,
      %gather3A_373 = tpu.vector_load_idx %arg8[%scan3A_362, %add3A_241] : memref<200x128xf32, #tpu.memory_space<vmem>>[vector<16xi32>, vector<16xi32>], vector<16xf32>,
      %gather3A_374 = tpu.vector_load_idx %arg8[%scan3A_363, %add3A_248] : memref<200x128xf32, #tpu.memory_space<vmem>>[vector<16xi32>, vector<16xi32>], vector<16xf32>,
      %swap3A = arith.index_cast %add3A_367 : i32 to index
      %swap3A_375 = arith.constant 0 : index
      %swap3A_376 = tpu.vector_load %arg10[%swap3A, %swap3A_375] {strides = array<i32>} : memref<200x128xf32, #tpu.memory_space<vmem>>, vector<16xf32>,
      tpu.vector_store %arg10[%swap3A, %swap3A_375], %gather3A {strides = array<i32>} : memref<200x128xf32, #tpu.memory_space<vmem>>, vector<16xf32>,
      %swap3A_377 = arith.index_cast %add3A_367 : i32 to index
      %swap3A_378 = arith.constant 16 : index
      %swap3A_379 = tpu.vector_load %arg10[%swap3A_377, %swap3A_378] {strides = array<i32>} : memref<200x128xf32, #tpu.memory_space<vmem>>, vector<16xf32>,
      tpu.vector_store %arg10[%swap3A_377, %swap3A_378], %gather3A_368 {strides = array<i32>} : memref<200x128xf32, #tpu.memory_space<vmem>>, vector<16xf32>,
      %swap3A_380 = arith.index_cast %add3A_367 : i32 to index
      %swap3A_381 = arith.constant 32 : index
      %swap3A_382 = tpu.vector_load %arg10[%swap3A_380, %swap3A_381] {strides = array<i32>} : memref<200x128xf32, #tpu.memory_space<vmem>>, vector<16xf32>,
      tpu.vector_store %arg10[%swap3A_380, %swap3A_381], %gather3A_369 {strides = array<i32>} : memref<200x128xf32, #tpu.memory_space<vmem>>, vector<16xf32>,
      %swap3A_383 = arith.index_cast %add3A_367 : i32 to index
      %swap3A_384 = arith.constant 48 : index
      %swap3A_385 = tpu.vector_load %arg10[%swap3A_383, %swap3A_384] {strides = array<i32>} : memref<200x128xf32, #tpu.memory_space<vmem>>, vector<16xf32>,
      tpu.vector_store %arg10[%swap3A_383, %swap3A_384], %gather3A_370 {strides = array<i32>} : memref<200x128xf32, #tpu.memory_space<vmem>>, vector<16xf32>,
      %swap3A_386 = arith.index_cast %add3A_367 : i32 to index
      %swap3A_387 = arith.constant 64 : index
      %swap3A_388 = tpu.vector_load %arg10[%swap3A_386, %swap3A_387] {strides = array<i32>} : memref<200x128xf32, #tpu.memory_space<vmem>>, vector<16xf32>,
      tpu.vector_store %arg10[%swap3A_386, %swap3A_387], %gather3A_371 {strides = array<i32>} : memref<200x128xf32, #tpu.memory_space<vmem>>, vector<16xf32>,
      %swap3A_389 = arith.index_cast %add3A_367 : i32 to index
      %swap3A_390 = arith.constant 80 : index
      %swap3A_391 = tpu.vector_load %arg10[%swap3A_389, %swap3A_390] {strides = array<i32>} : memref<200x128xf32, #tpu.memory_space<vmem>>, vector<16xf32>,
      tpu.vector_store %arg10[%swap3A_389, %swap3A_390], %gather3A_372 {strides = array<i32>} : memref<200x128xf32, #tpu.memory_space<vmem>>, vector<16xf32>,
      %swap3A_392 = arith.index_cast %add3A_367 : i32 to index
      %swap3A_393 = arith.constant 96 : index
      %swap3A_394 = tpu.vector_load %arg10[%swap3A_392, %swap3A_393] {strides = array<i32>} : memref<200x128xf32, #tpu.memory_space<vmem>>, vector<16xf32>,
      tpu.vector_store %arg10[%swap3A_392, %swap3A_393], %gather3A_373 {strides = array<i32>} : memref<200x128xf32, #tpu.memory_space<vmem>>, vector<16xf32>,
      %swap3A_395 = arith.index_cast %add3A_367 : i32 to index
      %swap3A_396 = arith.constant 112 : index
      %swap3A_397 = tpu.vector_load %arg10[%swap3A_395, %swap3A_396] {strides = array<i32>} : memref<200x128xf32, #tpu.memory_space<vmem>>, vector<16xf32>,
      tpu.vector_store %arg10[%swap3A_395, %swap3A_396], %gather3A_374 {strides = array<i32>} : memref<200x128xf32, #tpu.memory_space<vmem>>, vector<16xf32>,
      %sub3A = arith.constant 1 : i32
      %sub3A_398 = vector.broadcast %sub3A : i32 to vector<16xi32>
      %sub3A_399 = arith.subi %scan3A_356, %sub3A_398 : vector<16xi32>
      %min3A = vector.broadcast %scan3A_249 : i32 to vector<16xi32>
      %min3A_400 = arith.minui %sub3A_399, %min3A : vector<16xi32>
      %sub3A_401 = arith.constant 1 : i32
      %sub3A_402 = vector.broadcast %sub3A_401 : i32 to vector<16xi32>
      %sub3A_403 = arith.subi %scan3A_357, %sub3A_402 : vector<16xi32>
      %min3A_404 = vector.broadcast %scan3A_249 : i32 to vector<16xi32>
      %min3A_405 = arith.minui %sub3A_403, %min3A_404 : vector<16xi32>
      %sub3A_406 = arith.constant 1 : i32
      %sub3A_407 = vector.broadcast %sub3A_406 : i32 to vector<16xi32>
      %sub3A_408 = arith.subi %scan3A_358, %sub3A_407 : vector<16xi32>
      %min3A_409 = vector.broadcast %scan3A_249 : i32 to vector<16xi32>
      %min3A_410 = arith.minui %sub3A_408, %min3A_409 : vector<16xi32>
      %sub3A_411 = arith.constant 1 : i32
      %sub3A_412 = vector.broadcast %sub3A_411 : i32 to vector<16xi32>
      %sub3A_413 = arith.subi %scan3A_359, %sub3A_412 : vector<16xi32>
      %min3A_414 = vector.broadcast %scan3A_249 : i32 to vector<16xi32>
      %min3A_415 = arith.minui %sub3A_413, %min3A_414 : vector<16xi32>
      %sub3A_416 = arith.constant 1 : i32
      %sub3A_417 = vector.broadcast %sub3A_416 : i32 to vector<16xi32>
      %sub3A_418 = arith.subi %scan3A_360, %sub3A_417 : vector<16xi32>
      %min3A_419 = vector.broadcast %scan3A_249 : i32 to vector<16xi32>
      %min3A_420 = arith.minui %sub3A_418, %min3A_419 : vector<16xi32>
      %sub3A_421 = arith.constant 1 : i32
      %sub3A_422 = vector.broadcast %sub3A_421 : i32 to vector<16xi32>
      %sub3A_423 = arith.subi %scan3A_361, %sub3A_422 : vector<16xi32>
      %min3A_424 = vector.broadcast %scan3A_249 : i32 to vector<16xi32>
      %min3A_425 = arith.minui %sub3A_423, %min3A_424 : vector<16xi32>
      %sub3A_426 = arith.constant 1 : i32
      %sub3A_427 = vector.broadcast %sub3A_426 : i32 to vector<16xi32>
      %sub3A_428 = arith.subi %scan3A_362, %sub3A_427 : vector<16xi32>
      %min3A_429 = vector.broadcast %scan3A_249 : i32 to vector<16xi32>
      %min3A_430 = arith.minui %sub3A_428, %min3A_429 : vector<16xi32>
      %sub3A_431 = arith.constant 1 : i32
      %sub3A_432 = vector.broadcast %sub3A_431 : i32 to vector<16xi32>
      %sub3A_433 = arith.subi %scan3A_363, %sub3A_432 : vector<16xi32>
      %min3A_434 = vector.broadcast %scan3A_249 : i32 to vector<16xi32>
      %min3A_435 = arith.minui %sub3A_433, %min3A_434 : vector<16xi32>
      %mul3A_436 = arith.constant 2 : i32
      %mul3A_437 = arith.muli %scan3A_355, %mul3A_436 : i32
      %add3A_438 = arith.constant 1 : i32
      %add3A_439 = arith.addi %mul3A_437, %add3A_438 : i32
      %gather3A_440 = tpu.vector_load_idx %arg8[%min3A_400, %add3A_199] : memref<200x128xf32, #tpu.memory_space<vmem>>[vector<16xi32>, vector<16xi32>], vector<16xf32>,
      %gather3A_441 = tpu.vector_load_idx %arg8[%min3A_405, %add3A_206] : memref<200x128xf32, #tpu.memory_space<vmem>>[vector<16xi32>, vector<16xi32>], vector<16xf32>,
      %gather3A_442 = tpu.vector_load_idx %arg8[%min3A_410, %add3A_213] : memref<200x128xf32, #tpu.memory_space<vmem>>[vector<16xi32>, vector<16xi32>], vector<16xf32>,
      %gather3A_443 = tpu.vector_load_idx %arg8[%min3A_415, %add3A_220] : memref<200x128xf32, #tpu.memory_space<vmem>>[vector<16xi32>, vector<16xi32>], vector<16xf32>,
      %gather3A_444 = tpu.vector_load_idx %arg8[%min3A_420, %add3A_227] : memref<200x128xf32, #tpu.memory_space<vmem>>[vector<16xi32>, vector<16xi32>], vector<16xf32>,
      %gather3A_445 = tpu.vector_load_idx %arg8[%min3A_425, %add3A_234] : memref<200x128xf32, #tpu.memory_space<vmem>>[vector<16xi32>, vector<16xi32>], vector<16xf32>,
      %gather3A_446 = tpu.vector_load_idx %arg8[%min3A_430, %add3A_241] : memref<200x128xf32, #tpu.memory_space<vmem>>[vector<16xi32>, vector<16xi32>], vector<16xf32>,
      %gather3A_447 = tpu.vector_load_idx %arg8[%min3A_435, %add3A_248] : memref<200x128xf32, #tpu.memory_space<vmem>>[vector<16xi32>, vector<16xi32>], vector<16xf32>,
      %swap3A_448 = arith.index_cast %add3A_439 : i32 to index
      %swap3A_449 = arith.constant 0 : index
      %swap3A_450 = tpu.vector_load %arg10[%swap3A_448, %swap3A_449] {strides = array<i32>} : memref<200x128xf32, #tpu.memory_space<vmem>>, vector<16xf32>,
      tpu.vector_store %arg10[%swap3A_448, %swap3A_449], %gather3A_440 {strides = array<i32>} : memref<200x128xf32, #tpu.memory_space<vmem>>, vector<16xf32>,
      %swap3A_451 = arith.index_cast %add3A_439 : i32 to index
      %swap3A_452 = arith.constant 16 : index
      %swap3A_453 = tpu.vector_load %arg10[%swap3A_451, %swap3A_452] {strides = array<i32>} : memref<200x128xf32, #tpu.memory_space<vmem>>, vector<16xf32>,
      tpu.vector_store %arg10[%swap3A_451, %swap3A_452], %gather3A_441 {strides = array<i32>} : memref<200x128xf32, #tpu.memory_space<vmem>>, vector<16xf32>,
      %swap3A_454 = arith.index_cast %add3A_439 : i32 to index
      %swap3A_455 = arith.constant 32 : index
      %swap3A_456 = tpu.vector_load %arg10[%swap3A_454, %swap3A_455] {strides = array<i32>} : memref<200x128xf32, #tpu.memory_space<vmem>>, vector<16xf32>,
      tpu.vector_store %arg10[%swap3A_454, %swap3A_455], %gather3A_442 {strides = array<i32>} : memref<200x128xf32, #tpu.memory_space<vmem>>, vector<16xf32>,
      %swap3A_457 = arith.index_cast %add3A_439 : i32 to index
      %swap3A_458 = arith.constant 48 : index
      %swap3A_459 = tpu.vector_load %arg10[%swap3A_457, %swap3A_458] {strides = array<i32>} : memref<200x128xf32, #tpu.memory_space<vmem>>, vector<16xf32>,
      tpu.vector_store %arg10[%swap3A_457, %swap3A_458], %gather3A_443 {strides = array<i32>} : memref<200x128xf32, #tpu.memory_space<vmem>>, vector<16xf32>,
      %swap3A_460 = arith.index_cast %add3A_439 : i32 to index
      %swap3A_461 = arith.constant 64 : index
      %swap3A_462 = tpu.vector_load %arg10[%swap3A_460, %swap3A_461] {strides = array<i32>} : memref<200x128xf32, #tpu.memory_space<vmem>>, vector<16xf32>,
      tpu.vector_store %arg10[%swap3A_460, %swap3A_461], %gather3A_444 {strides = array<i32>} : memref<200x128xf32, #tpu.memory_space<vmem>>, vector<16xf32>,
      %swap3A_463 = arith.index_cast %add3A_439 : i32 to index
      %swap3A_464 = arith.constant 80 : index
      %swap3A_465 = tpu.vector_load %arg10[%swap3A_463, %swap3A_464] {strides = array<i32>} : memref<200x128xf32, #tpu.memory_space<vmem>>, vector<16xf32>,
      tpu.vector_store %arg10[%swap3A_463, %swap3A_464], %gather3A_445 {strides = array<i32>} : memref<200x128xf32, #tpu.memory_space<vmem>>, vector<16xf32>,
      %swap3A_466 = arith.index_cast %add3A_439 : i32 to index
      %swap3A_467 = arith.constant 96 : index
      %swap3A_468 = tpu.vector_load %arg10[%swap3A_466, %swap3A_467] {strides = array<i32>} : memref<200x128xf32, #tpu.memory_space<vmem>>, vector<16xf32>,
      tpu.vector_store %arg10[%swap3A_466, %swap3A_467], %gather3A_446 {strides = array<i32>} : memref<200x128xf32, #tpu.memory_space<vmem>>, vector<16xf32>,
      %swap3A_469 = arith.index_cast %add3A_439 : i32 to index
      %swap3A_470 = arith.constant 112 : index
      %swap3A_471 = tpu.vector_load %arg10[%swap3A_469, %swap3A_470] {strides = array<i32>} : memref<200x128xf32, #tpu.memory_space<vmem>>, vector<16xf32>,
      tpu.vector_store %arg10[%swap3A_469, %swap3A_470], %gather3A_447 {strides = array<i32>} : memref<200x128xf32, #tpu.memory_space<vmem>>, vector<16xf32>,
      %sub3A_472 = arith.constant 1 : i32
      %sub3A_473 = vector.broadcast %sub3A_472 : i32 to vector<16xi32>
      %sub3A_474 = arith.subi %min3A_400, %sub3A_473 : vector<16xi32>
      %min3A_475 = vector.broadcast %scan3A_249 : i32 to vector<16xi32>
      %min3A_476 = arith.minui %sub3A_474, %min3A_475 : vector<16xi32>
      %sub3A_477 = arith.constant 1 : i32
      %sub3A_478 = vector.broadcast %sub3A_477 : i32 to vector<16xi32>
      %sub3A_479 = arith.subi %min3A_405, %sub3A_478 : vector<16xi32>
      %min3A_480 = vector.broadcast %scan3A_249 : i32 to vector<16xi32>
      %min3A_481 = arith.minui %sub3A_479, %min3A_480 : vector<16xi32>
      %sub3A_482 = arith.constant 1 : i32
      %sub3A_483 = vector.broadcast %sub3A_482 : i32 to vector<16xi32>
      %sub3A_484 = arith.subi %min3A_410, %sub3A_483 : vector<16xi32>
      %min3A_485 = vector.broadcast %scan3A_249 : i32 to vector<16xi32>
      %min3A_486 = arith.minui %sub3A_484, %min3A_485 : vector<16xi32>
      %sub3A_487 = arith.constant 1 : i32
      %sub3A_488 = vector.broadcast %sub3A_487 : i32 to vector<16xi32>
      %sub3A_489 = arith.subi %min3A_415, %sub3A_488 : vector<16xi32>
      %min3A_490 = vector.broadcast %scan3A_249 : i32 to vector<16xi32>
      %min3A_491 = arith.minui %sub3A_489, %min3A_490 : vector<16xi32>
      %sub3A_492 = arith.constant 1 : i32
      %sub3A_493 = vector.broadcast %sub3A_492 : i32 to vector<16xi32>
      %sub3A_494 = arith.subi %min3A_420, %sub3A_493 : vector<16xi32>
      %min3A_495 = vector.broadcast %scan3A_249 : i32 to vector<16xi32>
      %min3A_496 = arith.minui %sub3A_494, %min3A_495 : vector<16xi32>
      %sub3A_497 = arith.constant 1 : i32
      %sub3A_498 = vector.broadcast %sub3A_497 : i32 to vector<16xi32>
      %sub3A_499 = arith.subi %min3A_425, %sub3A_498 : vector<16xi32>
      %min3A_500 = vector.broadcast %scan3A_249 : i32 to vector<16xi32>
      %min3A_501 = arith.minui %sub3A_499, %min3A_500 : vector<16xi32>
      %sub3A_502 = arith.constant 1 : i32
      %sub3A_503 = vector.broadcast %sub3A_502 : i32 to vector<16xi32>
      %sub3A_504 = arith.subi %min3A_430, %sub3A_503 : vector<16xi32>
      %min3A_505 = vector.broadcast %scan3A_249 : i32 to vector<16xi32>
      %min3A_506 = arith.minui %sub3A_504, %min3A_505 : vector<16xi32>
      %sub3A_507 = arith.constant 1 : i32
      %sub3A_508 = vector.broadcast %sub3A_507 : i32 to vector<16xi32>
      %sub3A_509 = arith.subi %min3A_435, %sub3A_508 : vector<16xi32>
      %min3A_510 = vector.broadcast %scan3A_249 : i32 to vector<16xi32>
      %min3A_511 = arith.minui %sub3A_509, %min3A_510 : vector<16xi32>
      scf.yield %min3A_476, %min3A_481, %min3A_486, %min3A_491, %min3A_496, %min3A_501, %min3A_506, %min3A_511 : vector<16xi32>, vector<16xi32>, vector<16xi32>, vector<16xi32>, vector<16xi32>, vector<16xi32>, vector<16xi32>, vector<16xi32>
    }
    %scan3A_255 = arith.constant 100 : i32
    %add3A_256 = arith.constant 256 : i32
    %add3A_257 = arith.addi %mul3A_2, %add3A_256 : i32
    %dma_start3A_258 = arith.constant 0 : i32
    %dma_start3A_259 = tpu.memref_slice %arg5[%dma_start3A_258, %add3A_257] : memref<200x16384xf32, #tpu.memory_space<hbm>> -> memref<200x128xf32, #tpu.memory_space<hbm>>
    %dma_start3A_260 = arith.constant 0 : i32
    %dma_start3A_261 = tpu.memref_slice %arg5[%dma_start3A_260, %add3A_257] : memref<200x16384xf32, #tpu.memory_space<hbm>> -> memref<200x128xf32, #tpu.memory_space<hbm>>
    tpu.enqueue_dma source(%arg10 : memref<200x128xf32, #tpu.memory_space<vmem>>) target(%dma_start3A_261 : memref<200x128xf32, #tpu.memory_space<hbm>>) target_semaphore(%arg14 : memref<!tpu.dma_semaphore, #tpu.memory_space<semaphore_mem>>)
    %add3A_262 = arith.constant 384 : i32
    %add3A_263 = arith.addi %mul3A_2, %add3A_262 : i32
    %dma_wait3A_264 = arith.constant 0 : i32
    %dma_wait3A_265 = tpu.memref_slice %arg3[%dma_wait3A_264, %add3A_263] : memref<200x16384xf32, #tpu.memory_space<hbm>> -> memref<200x128xf32, #tpu.memory_space<hbm>>
    %dma_wait3A_266 = arith.constant 0 : i32
    %dma_wait3A_267 = tpu.memref_slice %arg3[%dma_wait3A_266, %add3A_263] : memref<200x16384xf32, #tpu.memory_space<hbm>> -> memref<200x128xf32, #tpu.memory_space<hbm>>
    tpu.wait_dma2 semaphore(%arg13 : memref<!tpu.dma_semaphore, #tpu.memory_space<semaphore_mem>>) src(%dma_wait3A_267 : memref<200x128xf32, #tpu.memory_space<hbm>>) dst(%arg9 : memref<200x128xf32, #tpu.memory_space<vmem>>)
    %add3A_268 = arith.constant 128 : i32
    %add3A_269 = arith.addi %mul3A_2, %add3A_268 : i32
    %dma_wait3A_270 = arith.constant 0 : i32
    %dma_wait3A_271 = tpu.memref_slice %arg5[%dma_wait3A_270, %add3A_269] : memref<200x16384xf32, #tpu.memory_space<hbm>> -> memref<200x128xf32, #tpu.memory_space<hbm>>
    %dma_wait3A_272 = arith.constant 0 : i32
    %dma_wait3A_273 = tpu.memref_slice %arg5[%dma_wait3A_272, %add3A_269] : memref<200x16384xf32, #tpu.memory_space<hbm>> -> memref<200x128xf32, #tpu.memory_space<hbm>>
    tpu.wait_dma2 semaphore(%arg15 : memref<!tpu.dma_semaphore, #tpu.memory_space<semaphore_mem>>) src(%arg11 : memref<200x128xf32, #tpu.memory_space<vmem>>) dst(%dma_wait3A_273 : memref<200x128xf32, #tpu.memory_space<hbm>>)
    %get3A_274 = arith.constant 384 : index
    %get3A_275 = tpu.vector_load %arg6[%get3A_274] {strides = array<i32>} : memref<512xi32, #tpu.memory_space<vmem>>, vector<16xi32>,
    %get3A_276 = arith.constant 384 : index
    %get3A_277 = tpu.vector_load %arg7[%get3A_276] {strides = array<i32>} : memref<512xf32, #tpu.memory_space<vmem>>, vector<16xf32>,
    %add3A_278 = arith.constant 0 : i32
    %add3A_279 = vector.broadcast %add3A_278 : i32 to vector<16xi32>
    %add3A_280 = arith.addi %add3A_279, %iota3A : vector<16xi32>
    tpu.vector_store_idx %arg9[%get3A_275, %add3A_280], %get3A_277 : memref<200x128xf32, #tpu.memory_space<vmem>>[vector<16xi32>, vector<16xi32>], vector<16xf32>,
    %get3A_281 = arith.constant 400 : index
    %get3A_282 = tpu.vector_load %arg6[%get3A_281] {strides = array<i32>} : memref<512xi32, #tpu.memory_space<vmem>>, vector<16xi32>,
    %get3A_283 = arith.constant 400 : index
    %get3A_284 = tpu.vector_load %arg7[%get3A_283] {strides = array<i32>} : memref<512xf32, #tpu.memory_space<vmem>>, vector<16xf32>,
    %add3A_285 = arith.constant 16 : i32
    %add3A_286 = vector.broadcast %add3A_285 : i32 to vector<16xi32>
    %add3A_287 = arith.addi %add3A_286, %iota3A : vector<16xi32>
    tpu.vector_store_idx %arg9[%get3A_282, %add3A_287], %get3A_284 : memref<200x128xf32, #tpu.memory_space<vmem>>[vector<16xi32>, vector<16xi32>], vector<16xf32>,
    %get3A_288 = arith.constant 416 : index
    %get3A_289 = tpu.vector_load %arg6[%get3A_288] {strides = array<i32>} : memref<512xi32, #tpu.memory_space<vmem>>, vector<16xi32>,
    %get3A_290 = arith.constant 416 : index
    %get3A_291 = tpu.vector_load %arg7[%get3A_290] {strides = array<i32>} : memref<512xf32, #tpu.memory_space<vmem>>, vector<16xf32>,
    %add3A_292 = arith.constant 32 : i32
    %add3A_293 = vector.broadcast %add3A_292 : i32 to vector<16xi32>
    %add3A_294 = arith.addi %add3A_293, %iota3A : vector<16xi32>
    tpu.vector_store_idx %arg9[%get3A_289, %add3A_294], %get3A_291 : memref<200x128xf32, #tpu.memory_space<vmem>>[vector<16xi32>, vector<16xi32>], vector<16xf32>,
    %get3A_295 = arith.constant 432 : index
    %get3A_296 = tpu.vector_load %arg6[%get3A_295] {strides = array<i32>} : memref<512xi32, #tpu.memory_space<vmem>>, vector<16xi32>,
    %get3A_297 = arith.constant 432 : index
    %get3A_298 = tpu.vector_load %arg7[%get3A_297] {strides = array<i32>} : memref<512xf32, #tpu.memory_space<vmem>>, vector<16xf32>,
    %add3A_299 = arith.constant 48 : i32
    %add3A_300 = vector.broadcast %add3A_299 : i32 to vector<16xi32>
    %add3A_301 = arith.addi %add3A_300, %iota3A : vector<16xi32>
    tpu.vector_store_idx %arg9[%get3A_296, %add3A_301], %get3A_298 : memref<200x128xf32, #tpu.memory_space<vmem>>[vector<16xi32>, vector<16xi32>], vector<16xf32>,
    %get3A_302 = arith.constant 448 : index
    %get3A_303 = tpu.vector_load %arg6[%get3A_302] {strides = array<i32>} : memref<512xi32, #tpu.memory_space<vmem>>, vector<16xi32>,
    %get3A_304 = arith.constant 448 : index
    %get3A_305 = tpu.vector_load %arg7[%get3A_304] {strides = array<i32>} : memref<512xf32, #tpu.memory_space<vmem>>, vector<16xf32>,
    %add3A_306 = arith.constant 64 : i32
    %add3A_307 = vector.broadcast %add3A_306 : i32 to vector<16xi32>
    %add3A_308 = arith.addi %add3A_307, %iota3A : vector<16xi32>
    tpu.vector_store_idx %arg9[%get3A_303, %add3A_308], %get3A_305 : memref<200x128xf32, #tpu.memory_space<vmem>>[vector<16xi32>, vector<16xi32>], vector<16xf32>,
    %get3A_309 = arith.constant 464 : index
    %get3A_310 = tpu.vector_load %arg6[%get3A_309] {strides = array<i32>} : memref<512xi32, #tpu.memory_space<vmem>>, vector<16xi32>,
    %get3A_311 = arith.constant 464 : index
    %get3A_312 = tpu.vector_load %arg7[%get3A_311] {strides = array<i32>} : memref<512xf32, #tpu.memory_space<vmem>>, vector<16xf32>,
    %add3A_313 = arith.constant 80 : i32
    %add3A_314 = vector.broadcast %add3A_313 : i32 to vector<16xi32>
    %add3A_315 = arith.addi %add3A_314, %iota3A : vector<16xi32>
    tpu.vector_store_idx %arg9[%get3A_310, %add3A_315], %get3A_312 : memref<200x128xf32, #tpu.memory_space<vmem>>[vector<16xi32>, vector<16xi32>], vector<16xf32>,
    %get3A_316 = arith.constant 480 : index
    %get3A_317 = tpu.vector_load %arg6[%get3A_316] {strides = array<i32>} : memref<512xi32, #tpu.memory_space<vmem>>, vector<16xi32>,
    %get3A_318 = arith.constant 480 : index
    %get3A_319 = tpu.vector_load %arg7[%get3A_318] {strides = array<i32>} : memref<512xf32, #tpu.memory_space<vmem>>, vector<16xf32>,
    %add3A_320 = arith.constant 96 : i32
    %add3A_321 = vector.broadcast %add3A_320 : i32 to vector<16xi32>
    %add3A_322 = arith.addi %add3A_321, %iota3A : vector<16xi32>
    tpu.vector_store_idx %arg9[%get3A_317, %add3A_322], %get3A_319 : memref<200x128xf32, #tpu.memory_space<vmem>>[vector<16xi32>, vector<16xi32>], vector<16xf32>,
    %get3A_323 = arith.constant 496 : index
    %get3A_324 = tpu.vector_load %arg6[%get3A_323] {strides = array<i32>} : memref<512xi32, #tpu.memory_space<vmem>>, vector<16xi32>,
    %get3A_325 = arith.constant 496 : index
    %get3A_326 = tpu.vector_load %arg7[%get3A_325] {strides = array<i32>} : memref<512xf32, #tpu.memory_space<vmem>>, vector<16xf32>,
    %add3A_327 = arith.constant 112 : i32
    %add3A_328 = vector.broadcast %add3A_327 : i32 to vector<16xi32>
    %add3A_329 = arith.addi %add3A_328, %iota3A : vector<16xi32>
    tpu.vector_store_idx %arg9[%get3A_324, %add3A_329], %get3A_326 : memref<200x128xf32, #tpu.memory_space<vmem>>[vector<16xi32>, vector<16xi32>], vector<16xf32>,
    %scan3A_330 = arith.constant 199 : i32
    %scan3A_331 = arith.constant 0 : i32
    %scan3A_332 = arith.constant 100 : i32
    %scan3A_333 = arith.addi %scan3A_331, %scan3A_332 : i32
    %scan3A_334 = arith.constant 1 : i32
    %scan3A_335:8 = scf.for %scan3A_355 = %scan3A_331 to %scan3A_333 step %scan3A_334 iter_args(%scan3A_356 = %get3A_275, %scan3A_357 = %get3A_282, %scan3A_358 = %get3A_289, %scan3A_359 = %get3A_296, %scan3A_360 = %get3A_303, %scan3A_361 = %get3A_310, %scan3A_362 = %get3A_317, %scan3A_363 = %get3A_324) -> (vector<16xi32>, vector<16xi32>, vector<16xi32>, vector<16xi32>, vector<16xi32>, vector<16xi32>, vector<16xi32>, vector<16xi32>)  : i32 {
      %mul3A_364 = arith.constant 2 : i32
      %mul3A_365 = arith.muli %scan3A_355, %mul3A_364 : i32
      %add3A_366 = arith.constant 0 : i32
      %add3A_367 = arith.addi %mul3A_365, %add3A_366 : i32
      %gather3A = tpu.vector_load_idx %arg9[%scan3A_356, %add3A_280] : memref<200x128xf32, #tpu.memory_space<vmem>>[vector<16xi32>, vector<16xi32>], vector<16xf32>,
      %gather3A_368 = tpu.vector_load_idx %arg9[%scan3A_357, %add3A_287] : memref<200x128xf32, #tpu.memory_space<vmem>>[vector<16xi32>, vector<16xi32>], vector<16xf32>,
      %gather3A_369 = tpu.vector_load_idx %arg9[%scan3A_358, %add3A_294] : memref<200x128xf32, #tpu.memory_space<vmem>>[vector<16xi32>, vector<16xi32>], vector<16xf32>,
      %gather3A_370 = tpu.vector_load_idx %arg9[%scan3A_359, %add3A_301] : memref<200x128xf32, #tpu.memory_space<vmem>>[vector<16xi32>, vector<16xi32>], vector<16xf32>,
      %gather3A_371 = tpu.vector_load_idx %arg9[%scan3A_360, %add3A_308] : memref<200x128xf32, #tpu.memory_space<vmem>>[vector<16xi32>, vector<16xi32>], vector<16xf32>,
      %gather3A_372 = tpu.vector_load_idx %arg9[%scan3A_361, %add3A_315] : memref<200x128xf32, #tpu.memory_space<vmem>>[vector<16xi32>, vector<16xi32>], vector<16xf32>,
      %gather3A_373 = tpu.vector_load_idx %arg9[%scan3A_362, %add3A_322] : memref<200x128xf32, #tpu.memory_space<vmem>>[vector<16xi32>, vector<16xi32>], vector<16xf32>,
      %gather3A_374 = tpu.vector_load_idx %arg9[%scan3A_363, %add3A_329] : memref<200x128xf32, #tpu.memory_space<vmem>>[vector<16xi32>, vector<16xi32>], vector<16xf32>,
      %swap3A = arith.index_cast %add3A_367 : i32 to index
      %swap3A_375 = arith.constant 0 : index
      %swap3A_376 = tpu.vector_load %arg11[%swap3A, %swap3A_375] {strides = array<i32>} : memref<200x128xf32, #tpu.memory_space<vmem>>, vector<16xf32>,
      tpu.vector_store %arg11[%swap3A, %swap3A_375], %gather3A {strides = array<i32>} : memref<200x128xf32, #tpu.memory_space<vmem>>, vector<16xf32>,
      %swap3A_377 = arith.index_cast %add3A_367 : i32 to index
      %swap3A_378 = arith.constant 16 : index
      %swap3A_379 = tpu.vector_load %arg11[%swap3A_377, %swap3A_378] {strides = array<i32>} : memref<200x128xf32, #tpu.memory_space<vmem>>, vector<16xf32>,
      tpu.vector_store %arg11[%swap3A_377, %swap3A_378], %gather3A_368 {strides = array<i32>} : memref<200x128xf32, #tpu.memory_space<vmem>>, vector<16xf32>,
      %swap3A_380 = arith.index_cast %add3A_367 : i32 to index
      %swap3A_381 = arith.constant 32 : index
      %swap3A_382 = tpu.vector_load %arg11[%swap3A_380, %swap3A_381] {strides = array<i32>} : memref<200x128xf32, #tpu.memory_space<vmem>>, vector<16xf32>,
      tpu.vector_store %arg11[%swap3A_380, %swap3A_381], %gather3A_369 {strides = array<i32>} : memref<200x128xf32, #tpu.memory_space<vmem>>, vector<16xf32>,
      %swap3A_383 = arith.index_cast %add3A_367 : i32 to index
      %swap3A_384 = arith.constant 48 : index
      %swap3A_385 = tpu.vector_load %arg11[%swap3A_383, %swap3A_384] {strides = array<i32>} : memref<200x128xf32, #tpu.memory_space<vmem>>, vector<16xf32>,
      tpu.vector_store %arg11[%swap3A_383, %swap3A_384], %gather3A_370 {strides = array<i32>} : memref<200x128xf32, #tpu.memory_space<vmem>>, vector<16xf32>,
      %swap3A_386 = arith.index_cast %add3A_367 : i32 to index
      %swap3A_387 = arith.constant 64 : index
      %swap3A_388 = tpu.vector_load %arg11[%swap3A_386, %swap3A_387] {strides = array<i32>} : memref<200x128xf32, #tpu.memory_space<vmem>>, vector<16xf32>,
      tpu.vector_store %arg11[%swap3A_386, %swap3A_387], %gather3A_371 {strides = array<i32>} : memref<200x128xf32, #tpu.memory_space<vmem>>, vector<16xf32>,
      %swap3A_389 = arith.index_cast %add3A_367 : i32 to index
      %swap3A_390 = arith.constant 80 : index
      %swap3A_391 = tpu.vector_load %arg11[%swap3A_389, %swap3A_390] {strides = array<i32>} : memref<200x128xf32, #tpu.memory_space<vmem>>, vector<16xf32>,
      tpu.vector_store %arg11[%swap3A_389, %swap3A_390], %gather3A_372 {strides = array<i32>} : memref<200x128xf32, #tpu.memory_space<vmem>>, vector<16xf32>,
      %swap3A_392 = arith.index_cast %add3A_367 : i32 to index
      %swap3A_393 = arith.constant 96 : index
      %swap3A_394 = tpu.vector_load %arg11[%swap3A_392, %swap3A_393] {strides = array<i32>} : memref<200x128xf32, #tpu.memory_space<vmem>>, vector<16xf32>,
      tpu.vector_store %arg11[%swap3A_392, %swap3A_393], %gather3A_373 {strides = array<i32>} : memref<200x128xf32, #tpu.memory_space<vmem>>, vector<16xf32>,
      %swap3A_395 = arith.index_cast %add3A_367 : i32 to index
      %swap3A_396 = arith.constant 112 : index
      %swap3A_397 = tpu.vector_load %arg11[%swap3A_395, %swap3A_396] {strides = array<i32>} : memref<200x128xf32, #tpu.memory_space<vmem>>, vector<16xf32>,
      tpu.vector_store %arg11[%swap3A_395, %swap3A_396], %gather3A_374 {strides = array<i32>} : memref<200x128xf32, #tpu.memory_space<vmem>>, vector<16xf32>,
      %sub3A = arith.constant 1 : i32
      %sub3A_398 = vector.broadcast %sub3A : i32 to vector<16xi32>
      %sub3A_399 = arith.subi %scan3A_356, %sub3A_398 : vector<16xi32>
      %min3A = vector.broadcast %scan3A_330 : i32 to vector<16xi32>
      %min3A_400 = arith.minui %sub3A_399, %min3A : vector<16xi32>
      %sub3A_401 = arith.constant 1 : i32
      %sub3A_402 = vector.broadcast %sub3A_401 : i32 to vector<16xi32>
      %sub3A_403 = arith.subi %scan3A_357, %sub3A_402 : vector<16xi32>
      %min3A_404 = vector.broadcast %scan3A_330 : i32 to vector<16xi32>
      %min3A_405 = arith.minui %sub3A_403, %min3A_404 : vector<16xi32>
      %sub3A_406 = arith.constant 1 : i32
      %sub3A_407 = vector.broadcast %sub3A_406 : i32 to vector<16xi32>
      %sub3A_408 = arith.subi %scan3A_358, %sub3A_407 : vector<16xi32>
      %min3A_409 = vector.broadcast %scan3A_330 : i32 to vector<16xi32>
      %min3A_410 = arith.minui %sub3A_408, %min3A_409 : vector<16xi32>
      %sub3A_411 = arith.constant 1 : i32
      %sub3A_412 = vector.broadcast %sub3A_411 : i32 to vector<16xi32>
      %sub3A_413 = arith.subi %scan3A_359, %sub3A_412 : vector<16xi32>
      %min3A_414 = vector.broadcast %scan3A_330 : i32 to vector<16xi32>
      %min3A_415 = arith.minui %sub3A_413, %min3A_414 : vector<16xi32>
      %sub3A_416 = arith.constant 1 : i32
      %sub3A_417 = vector.broadcast %sub3A_416 : i32 to vector<16xi32>
      %sub3A_418 = arith.subi %scan3A_360, %sub3A_417 : vector<16xi32>
      %min3A_419 = vector.broadcast %scan3A_330 : i32 to vector<16xi32>
      %min3A_420 = arith.minui %sub3A_418, %min3A_419 : vector<16xi32>
      %sub3A_421 = arith.constant 1 : i32
      %sub3A_422 = vector.broadcast %sub3A_421 : i32 to vector<16xi32>
      %sub3A_423 = arith.subi %scan3A_361, %sub3A_422 : vector<16xi32>
      %min3A_424 = vector.broadcast %scan3A_330 : i32 to vector<16xi32>
      %min3A_425 = arith.minui %sub3A_423, %min3A_424 : vector<16xi32>
      %sub3A_426 = arith.constant 1 : i32
      %sub3A_427 = vector.broadcast %sub3A_426 : i32 to vector<16xi32>
      %sub3A_428 = arith.subi %scan3A_362, %sub3A_427 : vector<16xi32>
      %min3A_429 = vector.broadcast %scan3A_330 : i32 to vector<16xi32>
      %min3A_430 = arith.minui %sub3A_428, %min3A_429 : vector<16xi32>
      %sub3A_431 = arith.constant 1 : i32
      %sub3A_432 = vector.broadcast %sub3A_431 : i32 to vector<16xi32>
      %sub3A_433 = arith.subi %scan3A_363, %sub3A_432 : vector<16xi32>
      %min3A_434 = vector.broadcast %scan3A_330 : i32 to vector<16xi32>
      %min3A_435 = arith.minui %sub3A_433, %min3A_434 : vector<16xi32>
      %mul3A_436 = arith.constant 2 : i32
      %mul3A_437 = arith.muli %scan3A_355, %mul3A_436 : i32
      %add3A_438 = arith.constant 1 : i32
      %add3A_439 = arith.addi %mul3A_437, %add3A_438 : i32
      %gather3A_440 = tpu.vector_load_idx %arg9[%min3A_400, %add3A_280] : memref<200x128xf32, #tpu.memory_space<vmem>>[vector<16xi32>, vector<16xi32>], vector<16xf32>,
      %gather3A_441 = tpu.vector_load_idx %arg9[%min3A_405, %add3A_287] : memref<200x128xf32, #tpu.memory_space<vmem>>[vector<16xi32>, vector<16xi32>], vector<16xf32>,
      %gather3A_442 = tpu.vector_load_idx %arg9[%min3A_410, %add3A_294] : memref<200x128xf32, #tpu.memory_space<vmem>>[vector<16xi32>, vector<16xi32>], vector<16xf32>,
      %gather3A_443 = tpu.vector_load_idx %arg9[%min3A_415, %add3A_301] : memref<200x128xf32, #tpu.memory_space<vmem>>[vector<16xi32>, vector<16xi32>], vector<16xf32>,
      %gather3A_444 = tpu.vector_load_idx %arg9[%min3A_420, %add3A_308] : memref<200x128xf32, #tpu.memory_space<vmem>>[vector<16xi32>, vector<16xi32>], vector<16xf32>,
      %gather3A_445 = tpu.vector_load_idx %arg9[%min3A_425, %add3A_315] : memref<200x128xf32, #tpu.memory_space<vmem>>[vector<16xi32>, vector<16xi32>], vector<16xf32>,
      %gather3A_446 = tpu.vector_load_idx %arg9[%min3A_430, %add3A_322] : memref<200x128xf32, #tpu.memory_space<vmem>>[vector<16xi32>, vector<16xi32>], vector<16xf32>,
      %gather3A_447 = tpu.vector_load_idx %arg9[%min3A_435, %add3A_329] : memref<200x128xf32, #tpu.memory_space<vmem>>[vector<16xi32>, vector<16xi32>], vector<16xf32>,
      %swap3A_448 = arith.index_cast %add3A_439 : i32 to index
      %swap3A_449 = arith.constant 0 : index
      %swap3A_450 = tpu.vector_load %arg11[%swap3A_448, %swap3A_449] {strides = array<i32>} : memref<200x128xf32, #tpu.memory_space<vmem>>, vector<16xf32>,
      tpu.vector_store %arg11[%swap3A_448, %swap3A_449], %gather3A_440 {strides = array<i32>} : memref<200x128xf32, #tpu.memory_space<vmem>>, vector<16xf32>,
      %swap3A_451 = arith.index_cast %add3A_439 : i32 to index
      %swap3A_452 = arith.constant 16 : index
      %swap3A_453 = tpu.vector_load %arg11[%swap3A_451, %swap3A_452] {strides = array<i32>} : memref<200x128xf32, #tpu.memory_space<vmem>>, vector<16xf32>,
      tpu.vector_store %arg11[%swap3A_451, %swap3A_452], %gather3A_441 {strides = array<i32>} : memref<200x128xf32, #tpu.memory_space<vmem>>, vector<16xf32>,
      %swap3A_454 = arith.index_cast %add3A_439 : i32 to index
      %swap3A_455 = arith.constant 32 : index
      %swap3A_456 = tpu.vector_load %arg11[%swap3A_454, %swap3A_455] {strides = array<i32>} : memref<200x128xf32, #tpu.memory_space<vmem>>, vector<16xf32>,
      tpu.vector_store %arg11[%swap3A_454, %swap3A_455], %gather3A_442 {strides = array<i32>} : memref<200x128xf32, #tpu.memory_space<vmem>>, vector<16xf32>,
      %swap3A_457 = arith.index_cast %add3A_439 : i32 to index
      %swap3A_458 = arith.constant 48 : index
      %swap3A_459 = tpu.vector_load %arg11[%swap3A_457, %swap3A_458] {strides = array<i32>} : memref<200x128xf32, #tpu.memory_space<vmem>>, vector<16xf32>,
      tpu.vector_store %arg11[%swap3A_457, %swap3A_458], %gather3A_443 {strides = array<i32>} : memref<200x128xf32, #tpu.memory_space<vmem>>, vector<16xf32>,
      %swap3A_460 = arith.index_cast %add3A_439 : i32 to index
      %swap3A_461 = arith.constant 64 : index
      %swap3A_462 = tpu.vector_load %arg11[%swap3A_460, %swap3A_461] {strides = array<i32>} : memref<200x128xf32, #tpu.memory_space<vmem>>, vector<16xf32>,
      tpu.vector_store %arg11[%swap3A_460, %swap3A_461], %gather3A_444 {strides = array<i32>} : memref<200x128xf32, #tpu.memory_space<vmem>>, vector<16xf32>,
      %swap3A_463 = arith.index_cast %add3A_439 : i32 to index
      %swap3A_464 = arith.constant 80 : index
      %swap3A_465 = tpu.vector_load %arg11[%swap3A_463, %swap3A_464] {strides = array<i32>} : memref<200x128xf32, #tpu.memory_space<vmem>>, vector<16xf32>,
      tpu.vector_store %arg11[%swap3A_463, %swap3A_464], %gather3A_445 {strides = array<i32>} : memref<200x128xf32, #tpu.memory_space<vmem>>, vector<16xf32>,
      %swap3A_466 = arith.index_cast %add3A_439 : i32 to index
      %swap3A_467 = arith.constant 96 : index
      %swap3A_468 = tpu.vector_load %arg11[%swap3A_466, %swap3A_467] {strides = array<i32>} : memref<200x128xf32, #tpu.memory_space<vmem>>, vector<16xf32>,
      tpu.vector_store %arg11[%swap3A_466, %swap3A_467], %gather3A_446 {strides = array<i32>} : memref<200x128xf32, #tpu.memory_space<vmem>>, vector<16xf32>,
      %swap3A_469 = arith.index_cast %add3A_439 : i32 to index
      %swap3A_470 = arith.constant 112 : index
      %swap3A_471 = tpu.vector_load %arg11[%swap3A_469, %swap3A_470] {strides = array<i32>} : memref<200x128xf32, #tpu.memory_space<vmem>>, vector<16xf32>,
      tpu.vector_store %arg11[%swap3A_469, %swap3A_470], %gather3A_447 {strides = array<i32>} : memref<200x128xf32, #tpu.memory_space<vmem>>, vector<16xf32>,
      %sub3A_472 = arith.constant 1 : i32
      %sub3A_473 = vector.broadcast %sub3A_472 : i32 to vector<16xi32>
      %sub3A_474 = arith.subi %min3A_400, %sub3A_473 : vector<16xi32>
      %min3A_475 = vector.broadcast %scan3A_330 : i32 to vector<16xi32>
      %min3A_476 = arith.minui %sub3A_474, %min3A_475 : vector<16xi32>
      %sub3A_477 = arith.constant 1 : i32
      %sub3A_478 = vector.broadcast %sub3A_477 : i32 to vector<16xi32>
      %sub3A_479 = arith.subi %min3A_405, %sub3A_478 : vector<16xi32>
      %min3A_480 = vector.broadcast %scan3A_330 : i32 to vector<16xi32>
      %min3A_481 = arith.minui %sub3A_479, %min3A_480 : vector<16xi32>
      %sub3A_482 = arith.constant 1 : i32
      %sub3A_483 = vector.broadcast %sub3A_482 : i32 to vector<16xi32>
      %sub3A_484 = arith.subi %min3A_410, %sub3A_483 : vector<16xi32>
      %min3A_485 = vector.broadcast %scan3A_330 : i32 to vector<16xi32>
      %min3A_486 = arith.minui %sub3A_484, %min3A_485 : vector<16xi32>
      %sub3A_487 = arith.constant 1 : i32
      %sub3A_488 = vector.broadcast %sub3A_487 : i32 to vector<16xi32>
      %sub3A_489 = arith.subi %min3A_415, %sub3A_488 : vector<16xi32>
      %min3A_490 = vector.broadcast %scan3A_330 : i32 to vector<16xi32>
      %min3A_491 = arith.minui %sub3A_489, %min3A_490 : vector<16xi32>
      %sub3A_492 = arith.constant 1 : i32
      %sub3A_493 = vector.broadcast %sub3A_492 : i32 to vector<16xi32>
      %sub3A_494 = arith.subi %min3A_420, %sub3A_493 : vector<16xi32>
      %min3A_495 = vector.broadcast %scan3A_330 : i32 to vector<16xi32>
      %min3A_496 = arith.minui %sub3A_494, %min3A_495 : vector<16xi32>
      %sub3A_497 = arith.constant 1 : i32
      %sub3A_498 = vector.broadcast %sub3A_497 : i32 to vector<16xi32>
      %sub3A_499 = arith.subi %min3A_425, %sub3A_498 : vector<16xi32>
      %min3A_500 = vector.broadcast %scan3A_330 : i32 to vector<16xi32>
      %min3A_501 = arith.minui %sub3A_499, %min3A_500 : vector<16xi32>
      %sub3A_502 = arith.constant 1 : i32
      %sub3A_503 = vector.broadcast %sub3A_502 : i32 to vector<16xi32>
      %sub3A_504 = arith.subi %min3A_430, %sub3A_503 : vector<16xi32>
      %min3A_505 = vector.broadcast %scan3A_330 : i32 to vector<16xi32>
      %min3A_506 = arith.minui %sub3A_504, %min3A_505 : vector<16xi32>
      %sub3A_507 = arith.constant 1 : i32
      %sub3A_508 = vector.broadcast %sub3A_507 : i32 to vector<16xi32>
      %sub3A_509 = arith.subi %min3A_435, %sub3A_508 : vector<16xi32>
      %min3A_510 = vector.broadcast %scan3A_330 : i32 to vector<16xi32>
      %min3A_511 = arith.minui %sub3A_509, %min3A_510 : vector<16xi32>
      scf.yield %min3A_476, %min3A_481, %min3A_486, %min3A_491, %min3A_496, %min3A_501, %min3A_506, %min3A_511 : vector<16xi32>, vector<16xi32>, vector<16xi32>, vector<16xi32>, vector<16xi32>, vector<16xi32>, vector<16xi32>, vector<16xi32>
    }
    %scan3A_336 = arith.constant 100 : i32
    %add3A_337 = arith.constant 384 : i32
    %add3A_338 = arith.addi %mul3A_2, %add3A_337 : i32
    %dma_start3A_339 = arith.constant 0 : i32
    %dma_start3A_340 = tpu.memref_slice %arg5[%dma_start3A_339, %add3A_338] : memref<200x16384xf32, #tpu.memory_space<hbm>> -> memref<200x128xf32, #tpu.memory_space<hbm>>
    %dma_start3A_341 = arith.constant 0 : i32
    %dma_start3A_342 = tpu.memref_slice %arg5[%dma_start3A_341, %add3A_338] : memref<200x16384xf32, #tpu.memory_space<hbm>> -> memref<200x128xf32, #tpu.memory_space<hbm>>
    tpu.enqueue_dma source(%arg11 : memref<200x128xf32, #tpu.memory_space<vmem>>) target(%dma_start3A_342 : memref<200x128xf32, #tpu.memory_space<hbm>>) target_semaphore(%arg15 : memref<!tpu.dma_semaphore, #tpu.memory_space<semaphore_mem>>)
    %add3A_343 = arith.constant 256 : i32
    %add3A_344 = arith.addi %mul3A_2, %add3A_343 : i32
    %dma_wait3A_345 = arith.constant 0 : i32
    %dma_wait3A_346 = tpu.memref_slice %arg5[%dma_wait3A_345, %add3A_344] : memref<200x16384xf32, #tpu.memory_space<hbm>> -> memref<200x128xf32, #tpu.memory_space<hbm>>
    %dma_wait3A_347 = arith.constant 0 : i32
    %dma_wait3A_348 = tpu.memref_slice %arg5[%dma_wait3A_347, %add3A_344] : memref<200x16384xf32, #tpu.memory_space<hbm>> -> memref<200x128xf32, #tpu.memory_space<hbm>>
    tpu.wait_dma2 semaphore(%arg14 : memref<!tpu.dma_semaphore, #tpu.memory_space<semaphore_mem>>) src(%arg10 : memref<200x128xf32, #tpu.memory_space<vmem>>) dst(%dma_wait3A_348 : memref<200x128xf32, #tpu.memory_space<hbm>>)
    %add3A_349 = arith.constant 384 : i32
    %add3A_350 = arith.addi %mul3A_2, %add3A_349 : i32
    %dma_wait3A_351 = arith.constant 0 : i32
    %dma_wait3A_352 = tpu.memref_slice %arg5[%dma_wait3A_351, %add3A_350] : memref<200x16384xf32, #tpu.memory_space<hbm>> -> memref<200x128xf32, #tpu.memory_space<hbm>>
    %dma_wait3A_353 = arith.constant 0 : i32
    %dma_wait3A_354 = tpu.memref_slice %arg5[%dma_wait3A_353, %add3A_350] : memref<200x16384xf32, #tpu.memory_space<hbm>> -> memref<200x128xf32, #tpu.memory_space<hbm>>
    tpu.wait_dma2 semaphore(%arg15 : memref<!tpu.dma_semaphore, #tpu.memory_space<semaphore_mem>>) src(%arg11 : memref<200x128xf32, #tpu.memory_space<vmem>>) dst(%dma_wait3A_354 : memref<200x128xf32, #tpu.memory_space<hbm>>)
    return
  }
}

</mosaic_0001>

<sc_bundles>
// kernel: kernel.3.cloned.1.call-start
scs
__scs_entry_jumppad:
0x0: {  	(pc) =	sbr.rel $0x88, $3  }
0x1: {  	(tag) =	ssettag $0x0;
	lr =	simm.s32 $0x1  }
0x2: {  	[smem:$0x3F9E] =	sst lr;
	_ =	strace $0xD0000000  }
0x3: {  	_ = 	snop  }
0x4: {  	_ = 	snop  }
0x5: {  	_ = 	snop  }
0x6: {  	_ = 	snop  }
0x7: {  	_ = 	snop  }
__scs_overlays_trampoline_lowered:
0x8: {  	[smem:$0x3FAD] =	sst s0  }
0x9: {  	[smem:$0x3FAE] =	sst s1  }
0xa: {  	[smem:$0x3FAF] =	sst s2  }
0xb: {  	[smem:$0x3FB0] =	sst s3  }
0xc: {  	[smem:$0x3FB1] =	sst s4  }
0xd: {  	[smem:$0x3FB2] =	sst s5  }
0xe: {  	[smem:$0x3FB3] =	sst s6  }
0xf: {  	[smem:$0x3FB4] =	sst s7  }
0x10: {  	[smem:$0x3FB5] =	sst s8  }
0x11: {  	[smem:$0x3FB6] =	sst s9;
	s0 =	simm.s32 @!p0 $0x0  }
0x12: {  	s1 =	sld [smem:$0x3F9C];
	s0 =	simm.s32 @p0 $0x1  }
0x13: {  	[smem:$0x3FB7] =	sst s0;
	s0 =	simm.s32 @!p1 $0x0  }
0x14: {  	s2 =	sld [smem:$0x3F9B];
	s0 =	simm.s32 @p1 $0x1  }
0x15: {  	[smem:$0x3FB8] =	sst s0;
	s0 =	simm.s32 @!p2 $0x0  }
0x16: {  	s3 =	sld [smem:$0x3FDB];
	s0 =	simm.s32 @p2 $0x1  }
0x17: {  	s4 =	simm.s32 $0x1BF5;
	[smem:$0x3FBA] =	sst s0  }
0x18: {  	s0 =	sld [smem:$0x3F9D];
	_ =	swait.ge [sflag:s4], $0x0  }
0x19: {  	s7 =	sld [smem:$0x3F9E]  }
0x1a: {  	s8 =	sadd.s32 $0xFFFFE003, lr  }
0x1b: {  	s9 =	sadd.s32 $0xFFFFFEF7, lr;
	s5 =	simm.s32 $0xFFFFFFFF;
	p2 =	slt.u32 s8, $0xFFFFF086  }
0x1c: {  	p1 =	slt.u32 s9, $0xF7A;
	s5 =	simm.s32 @!p2 $0x0  }
0x1d: {  	s5 =	simm.s32 @p1 $0x1;
	p0 =	seq.s32 s7, s2  }
0x1e: {  	s7 =	smul.u32 @!p0 $0xF7A, s2;
	p2 =	seq.s32 @!p0 s5, $0x0  }
0x1f: {  	s9 =	smul.u32 $0xF7A, s1;
	s8 =	simm.s32 @!p0 $0x1BF5;
	p2 =	por !p2, p0  }
0x20: {  	[sflag:s8] =	ssyncset.s32 @!p0 $0xFFFFF086;
	s6 =	sadd.s32 @!p0 s3, s7;
	s7 =	simm.s32 @!p0 $0x108  }
0x21: {  	s3 =	sadd.s32 s3, s9;
	s6 =	sadd.s32 @!p0 $0x88, s6;
	s7 =	simm.s32 @p2 $0x1082  }
0x22: {  	[simem:s7], [sflag:s8] =	dma.local @!p0 [hbm:s6], $0xF7A  }
0x23: {  	s9 =	sor.u32 $0xD0000000, s2;
	s6 =	simm.s32 $0x108;
	_ =	swait.ge @!p0 [sflag:s8], $0x0  }
0x24: {  	s3 =	sadd.s32 $0x88, s3;
	s6 =	simm.s32 @!p1 $0x1082;
	[sflag:s4] =	ssyncset.s32 $0xFFFFF086  }
0x25: {  	[simem:s6], [sflag:s4] =	dma.local [hbm:s3], $0xF7A  }
0x26: {  	[smem:$0x3F9E] =	sst s1;
	(tag) =	ssettag s2;
	_ =	strace s9  }
0x27: {  	s1 =	sld [smem:$0x3FAE]  }
0x28: {  	s2 =	sld [smem:$0x3FAF]  }
0x29: {  	s4 =	sld [smem:$0x3FB1]  }
0x2a: {  	p0 =	seq.s32 s5, $0x0;
	s5 =	sld [smem:$0x3FB2]  }
0x2b: {  	s6 =	sld [smem:$0x3FB3]  }
0x2c: {  	s7 =	sld [smem:$0x3FB4]  }
0x2d: {  	s3 =	simm.s32 $0x108;
	s8 =	sld [smem:$0x3FB5]  }
0x2e: {  	s3 =	simm.s32 @!p0 $0x1082;
	s9 =	sld [smem:$0x3FB6]  }
0x2f: {  	lr =	sadd.s32 s0, s3;
	s0 =	sld [smem:$0x3FAD]  }
0x30: {  	s3 =	sld [smem:$0x3FB0]  }
0x31: {  	[smem:$0x3FB9] =	sst s10  }
0x32: {  	s10 =	sld [smem:$0x3FB7];
	_ =	sdelay $0x3  }
0x33: {  	p0 =	seq.s32 s10, $0x1;
	s10 =	sld [smem:$0x3FB9];
	_ =	sdelay $0x3  }
0x34: {  	[smem:$0x3FB9] =	sst s10  }
0x35: {  	s10 =	sld [smem:$0x3FB8];
	_ =	sdelay $0x3  }
0x36: {  	p1 =	seq.s32 s10, $0x1;
	s10 =	sld [smem:$0x3FB9];
	_ =	sdelay $0x3  }
0x37: {  	[smem:$0x3FB9] =	sst s10  }
0x38: {  	s10 =	sld [smem:$0x3FBA]  }
0x39: {  	_ = 	snop;
	(pc) =	sbr.ind lr, $3  }
0x3a: {  	_ = 	snop  }
0x3b: {  	_ = 	snop  }
0x3c: {  	p2 =	seq.s32 s10, $0x1;
	s10 =	sld [smem:$0x3FB9]  }
0x3d: {  	_ =	shalt  }
0x3e: {  	_ =	shalt  }
0x3f: {  	_ =	shalt  }
0x40: {  	_ =	shalt  }
0x41: {  	_ =	shalt  }
0x42: {  	_ =	shalt  }
0x43: {  	_ =	shalt  }
0x44: {  	_ =	shalt  }
0x45: {  	_ =	shalt  }
0x46: {  	_ =	shalt  }
0x47: {  	_ =	shalt  }
0x48: {  	_ =	shalt  }
0x49: {  	_ =	shalt  }
0x4a: {  	_ =	shalt  }
0x4b: {  	_ =	shalt  }
0x4c: {  	_ =	shalt  }
0x4d: {  	_ =	shalt  }
0x4e: {  	_ =	shalt  }
0x4f: {  	_ =	shalt  }
0x50: {  	_ =	shalt  }
0x51: {  	_ =	shalt  }
0x52: {  	_ =	shalt  }
0x53: {  	_ =	shalt  }
0x54: {  	_ =	shalt  }
0x55: {  	_ =	shalt  }
0x56: {  	_ =	shalt  }
0x57: {  	_ =	shalt  }
0x58: {  	_ =	shalt  }
0x59: {  	_ =	shalt  }
0x5a: {  	_ =	shalt  }
0x5b: {  	_ =	shalt  }
0x5c: {  	_ =	shalt  }
0x5d: {  	_ =	shalt  }
0x5e: {  	_ =	shalt  }
0x5f: {  	_ =	shalt  }
0x60: {  	_ =	shalt  }
0x61: {  	_ =	shalt  }
0x62: {  	_ =	shalt  }
0x63: {  	_ =	shalt  }
0x64: {  	_ =	shalt  }
0x65: {  	_ =	shalt  }
0x66: {  	_ =	shalt  }
0x67: {  	_ =	shalt  }
0x68: {  	_ =	shalt  }
0x69: {  	_ =	shalt  }
0x6a: {  	_ =	shalt  }
0x6b: {  	_ =	shalt  }
0x6c: {  	_ =	shalt  }
0x6d: {  	_ =	shalt  }
0x6e: {  	_ =	shalt  }
0x6f: {  	_ =	shalt  }
0x70: {  	_ =	shalt  }
0x71: {  	_ =	shalt  }
0x72: {  	_ =	shalt  }
0x73: {  	_ =	shalt  }
0x74: {  	_ =	shalt  }
0x75: {  	_ =	shalt  }
0x76: {  	_ =	shalt  }
0x77: {  	_ =	shalt  }
0x78: {  	_ =	shalt  }
0x79: {  	_ =	shalt  }
0x7a: {  	_ =	shalt  }
0x7b: {  	_ =	shalt  }
0x7c: {  	_ =	shalt  }
0x7d: {  	_ =	shalt  }
0x7e: {  	_ =	shalt  }
0x7f: {  	_ =	shalt  }
0x80: {  	_ =	shalt  }
0x81: {  	_ =	shalt  }
0x82: {  	_ =	shalt  }
0x83: {  	_ =	shalt  }
0x84: {  	_ =	shalt  }
0x85: {  	_ =	shalt  }
0x86: {  	_ =	shalt  }
0x87: {  	_ =	shalt  }
.Lfunc_end0:
.L_simem_size_0:
called_computation_lowered:
.L_overlay_start_0:
0x88: {  	s2 =	sld [smem:$0x3FD9]  }
0x89: {  	s3 =	sld [smem:$0x3FFE];
	_ =	sdelay $0x1  }
0x8a: {  	s1 =	srdreg.scid  }
0x8b: {  	s0 =	sand.u32 $0x1, s1  }
0x8c: {  	s18 =	sshll.u32 s0, $0xA;
	s2 =	sadd.s32 s3, s2  }
0x8d: {  	s2 =	sadd.s32 s2, s18  }
0x8e: {  	[smem:$0x3FC5] =	sst s2  }
0x8f: {  	_ = 	snop  }
0x90: {  	s2 =	sld [smem:$0x3FC9]  }
0x91: {  	s19 =	sld [smem:$0x3FC8]  }
0x92: {  	s4 =	sld [smem:$0x3FC7]  }
0x93: {  	s5 =	sld [smem:$0x3FD0];
	(tm) =	ssettm $0x1  }
0x94: {  	s6 =	sld [smem:$0x3FFB];
	_ =	sdelay $0x3  }
0x95: {  	_ =	strace s6  }
0x96: {  	s6 =	sld [smem:$0x3FFC];
	_ =	sdelay $0x3  }
0x97: {  	_ =	strace s6  }
0x98: {  	s6 =	sld [smem:$0x3FFD];
	_ =	sdelay $0x3  }
0x99: {  	_ =	strace s6  }
0x9a: {  	_ =	strace $0x8FFFFFFF  }
0x9b: {  	s20 =	sld [smem:$0x3FDB];
	_ =	sdelay $0x1  }
0x9c: {  	s7 =	simm.s32 $_scs_section_size  }
0x9d: {  	s8 =	simm.s32 $_size__tile_overlayer_lowered;
	s9 =	simm.s32 $_tile_overlayer_lowered  }
0x9e: {  	s23 =	simm.s32 $0x1BFF;
	s22 =	sshll.u32 s9, $0x1;
	s6 =	sadd.s32 s7, s20  }
0x9f: {  	s10 =	simm.s32 $0x0;
	s21 =	sshll.u32 s8, $0x1;
	s8 =	sadd.s32 s22, s6  }
0xa0: {  	[timem:s10], [sflag:s23] =	dma.local [hbm:s8], s21  }
0xa1: {  	_ =	swait.ge [sflag:s23], s21  }
0xa2: {  	s7 =	ssub.s32 $0x0, s21;
	[sflag:s23] =	ssyncset.done $0x0  }
0xa3: {  	[sflag:s23] =	ssyncadd.s32 s7;
	_ =	sdelay $0x1  }
0xa4: {  	s24 =	simm.s32 $0x1B8B  }
0xa5: {  	_ =	swait.ge [sflag:s24], $0x1  }
0xa6: {  	[sflag:s24] =	ssyncset.done $0x0  }
0xa7: {  	s25 =	simm.s32 $0x1B8E;
	[sflag:s24] =	ssyncadd.s32 $0xFFFFFFFF  }
0xa8: {  	s26 =	simm.s32 $execute0_lowered;
	[smem:$0x3FD2] =	sst s25  }
0xa9: {  	s7 =	sshll.u32 s26, $0x1;
	_ =	strace $0x80000046;
	[dreg:$0x1] =	wrdreg $0xFFFFFFFF  }
0xaa: {  	s28 =	simm.s32 $_size_execute0_lowered;
	s6 =	sadd.s32 s6, s7;
	[dreg:$0x0] =	wrdreg $0x0  }
0xab: {  	s7 =	sshll.u32 s28, $0x1;
	[dreg:$0x2] =	wrdreg s6  }
0xac: {  	[dreg:$0x3] =	wrdreg s7  }
0xad: {  	[dreg:$0x4] =	wrdreg $0xC0  }
0xae: {  	_ =	task [dreg:s10], $0x5FFFF  }
0xaf: {  	[dreg:$0x1] =	wrdreg $0xFFFFFFFF  }
0xb0: {  	[dreg:$0x0] =	wrdreg $0x60  }
0xb1: {  	[dreg:$0x2] =	wrdreg s2  }
0xb2: {  	[dreg:$0x3] =	wrdreg s19  }
0xb3: {  	[dreg:$0x4] =	wrdreg s4  }
0xb4: {  	[dreg:$0x5] =	wrdreg s5  }
0xb5: {  	[dreg:$0x6] =	wrdreg $0x9  }
0xb6: {  	_ =	task.clear_ibuf [dreg:s10], $0x7FFFF;
	_ =	strace $0x90000046  }
0xb7: {  	s29 =	simm.s32 $0x9;
	_ =	strace $0x80000048  }
0xb8: {  	_ =	swait.ge [sflag:s29], $0x1  }
0xb9: {  	[sflag:s29] =	ssyncadd.s32 $0xFFFFFFFF  }
0xba: {  	_ =	strace $0x90000048  }
0xbb: {  	_ =	sfence  }
0xbc: {  	s30 =	sld [smem:$0x0];
	_ =	sdelay $0x2  }
0xbd: {  	s31 =	sshll.u32 s1, $0xD;
	s1 =	sshrl.u32 s1, $0x2  }
0xbe: {  	s3 =	sand.u32 $0x4000, s31;
	s1 =	sadd.s32 s1, s30  }
0xbf: {  	s0 =	sor.u32 s3, s0;
	s1 =	sshll.u32 s1, $0x11  }
0xc0: {  	s0 =	sor.u32 s1, s0  }
0xc1: {  	s0 =	sadd.s32 $0x8F2B, s0  }
0xc2: {  	[sflag:s0] =	ssyncadd.remote.s32 $0x1  }
0xc3: {  	_ =	sfence.sel $0xFFFF  }
0xc4: {  	[dreg:$0x0] =	wrdreg $0xFFFFFFFF;
	(pc) =	sbr.abs _section_cstart, $3  }
0xc5: {  	[dreg:$0x1] =	wrdreg $0xFFFFFFFF  }
0xc6: {  	_ =	task.clear_ibuf [dreg:s10], $0x2FFFF;
	_ =	strace $0x9FFFFFFF  }
0xc7: {  	(tm) =	ssettm $0x7FFFFFFF  }
tec
execute0_lowered:
.L_overlay_start_1:
0x0: {  	(tag) =	ssettag $0x1  }
0x1: {  	s4 =	rddreg [dreg:$0x0]  }
0x2: {  	s10 =	rddreg [dreg:$0x1]  }
0x3: {  	s3 =	rddreg [dreg:$0x2]  }
0x4: {  	s12 =	rddreg [dreg:$0x3];
	s2 =	srdreg.scid  }
0x5: {  	s0 =	rddreg [dreg:$0x4];
	s1 =	stileid.u32;
	s15 =	simm.s32 $0x20000  }
0x6: {  	s16 =	simm.s32 $0x400;
	s17 =	simm.s32 $0x5;
	s18 =	simm.s32 $0x6800  }
0x7: {  	s19 =	simm.s32 $0x1;
	s20 =	simm.s32 $0xCC00;
	s21 =	simm.s32 $0x2  }
0x8: {  	s22 =	simm.s32 $0x13000;
	s23 =	simm.s32 $0x3;
	s24 =	simm.s32 $0x4  }
0x9: {  	s25 =	simm.s32 $0x0;
	s5 =	sand.u32 $0x1, s2;
	s2 =	simm.s32 $0x0  }
0xa: {  	s6 =	sshll.u32 s1, $0xA;
	s7 =	sshll.u32 s5, $0x9;
	s5 =	ssub.s32 $0x2, s5  }
0xb: {  	[smem:$0x7FF] =	sst s2;
	s8 =	sor.u32 s7, s6;
	s31 =	sshrl.u32 s5, $0x1  }
0xc: {  	_ =	strace $0x80000047;
	s7 =	sshrl.u32 s8, $0x3;
	s13 =	ssub.s32 s5, s31  }
0xd: {  	s9 =	sor.u32 $0x80, s8;
	s5 =	sadd.s32 s10, s8;
	s11 =	sor.u32 $0x100, s8  }
0xe: {  	v0 =	vlaneseq.u32;
	s14 =	sor.u32 $0x180, s8;
	s3 =	sadd.s32 s3, s7;
	s4 =	sadd.s32 s4, s7  }
0xf: {  	v1 =	vor.u32 $0x10, v0;
	s6 =	sadd.s32 s10, s9;
	s7 =	sadd.s32 s12, s8;
	s8 =	sadd.s32 s10, s11  }
0x10: {  	v2 =	vor.u32 $0x20, v0;
	v3 =	vor.u32 $0x30, v0;
	v4 =	vor.u32 $0x40, v0;
	s9 =	sadd.s32 s12, s9;
	s10 =	sadd.s32 s10, s14;
	s11 =	sadd.s32 s12, s11  }
0x11: {  	v5 =	vor.u32 $0x50, v0;
	v6 =	vor.u32 $0x60, v0;
	v7 =	vor.u32 $0x70, v0;
	s12 =	sadd.s32 s12, s14;
	s13 =	smax.u32 s13, $0x1;
	s14 =	simm.s32 $0x200  }
.LBB2_1:
0x12: {  	[tilespmem:s2], [sflag:$0x5] =	stream.linear.gather [hbm4b:s3+s2], $0x200, $0x38;
	[tilespmem:$0x19400] =	vst v63  }
0x13: {  	_ = 	snop  }
0x14: {  	[tilespmem:s14], [sflag:$0x5] =	stream.linear.gather [hbm4b:s4+s2], $0x200, $0x38;
	[tilespmem:$0x19400] =	vst v63  }
0x15: {  	_ = 	snop  }
0x16: {  	[tilespmem:s16], [sflag:$0x1] =	stream.strided.gather [hbm4b:s5+s16], $0x6400, s15, s16, $0x38;
	[tilespmem:$0x19400] =	vst v63  }
0x17: {  	_ =	swait.ge [sflag:s17], $0x200  }
0x18: {  	[sflag:s17] =	ssyncset.done $0x0  }
0x19: {  	[sflag:s17] =	ssyncadd.s32 $0xFFFFFE00  }
0x1a: {  	_ =	swait.ge [sflag:s17], $0x200  }
0x1b: {  	[sflag:s17] =	ssyncset.done $0x0  }
0x1c: {  	[sflag:s17] =	ssyncadd.s32 $0xFFFFFE00  }
0x1d: {  	[tilespmem:s18], [sflag:$0x2] =	stream.strided.gather [hbm4b:s6+s16], $0x6400, s15, s16, $0x38;
	[tilespmem:$0x19400] =	vst v63  }
0x1e: {  	_ =	swait.ge [sflag:s19], $0x6400  }
0x1f: {  	[sflag:s19] =	ssyncset.done $0x0  }
0x20: {  	[sflag:s19] =	ssyncadd.s32 $0xFFFF9C00  }
0x21: {  	v13 =	vld [tilespmem:$0x0];
	_ =	sdelay $0x4  }
0x22: {  	v8 =	vshll.u32 v13, $0x7  }
0x23: {  	v9 =	vld [tilespmem:$0x200];
	v14 =	vor.u32 v0, v8;
	_ =	sdelay $0x4  }
0x24: {  	[tilespmem:v14+s16+$0x0] =	vst.idx.msk $0xffff, v9  }
0x25: {  	v8 =	vld [tilespmem:$0x10];
	_ =	sdelay $0x4  }
0x26: {  	v9 =	vshll.u32 v8, $0x7  }
0x27: {  	v10 =	vld [tilespmem:$0x210];
	v9 =	vor.u32 v1, v9;
	_ =	sdelay $0x4  }
0x28: {  	[tilespmem:v9+s16+$0x0] =	vst.idx.msk $0xffff, v10  }
0x29: {  	v15 =	vld [tilespmem:$0x20];
	_ =	sdelay $0x4  }
0x2a: {  	v9 =	vshll.u32 v15, $0x7  }
0x2b: {  	v10 =	vld [tilespmem:$0x220];
	v9 =	vor.u32 v2, v9;
	_ =	sdelay $0x4  }
0x2c: {  	[tilespmem:v9+s16+$0x0] =	vst.idx.msk $0xffff, v10  }
0x2d: {  	v16 =	vld [tilespmem:$0x30];
	_ =	sdelay $0x4  }
0x2e: {  	v10 =	vshll.u32 v16, $0x7  }
0x2f: {  	v11 =	vld [tilespmem:$0x230];
	v17 =	vor.u32 v3, v10;
	_ =	sdelay $0x4  }
0x30: {  	[tilespmem:v17+s16+$0x0] =	vst.idx.msk $0xffff, v11  }
0x31: {  	v10 =	vld [tilespmem:$0x40];
	_ =	sdelay $0x4  }
0x32: {  	v11 =	vshll.u32 v10, $0x7  }
0x33: {  	v12 =	vld [tilespmem:$0x240];
	v11 =	vor.u32 v4, v11;
	_ =	sdelay $0x4  }
0x34: {  	[tilespmem:v11+s16+$0x0] =	vst.idx.msk $0xffff, v12  }
0x35: {  	v18 =	vld [tilespmem:$0x50];
	_ =	sdelay $0x4  }
0x36: {  	v11 =	vshll.u32 v18, $0x7  }
0x37: {  	v12 =	vld [tilespmem:$0x250];
	v11 =	vor.u32 v5, v11;
	_ =	sdelay $0x4  }
0x38: {  	[tilespmem:v11+s16+$0x0] =	vst.idx.msk $0xffff, v12  }
0x39: {  	v19 =	vld [tilespmem:$0x60];
	_ =	sdelay $0x4  }
0x3a: {  	v12 =	vshll.u32 v19, $0x7  }
0x3b: {  	v20 =	vld [tilespmem:$0x260];
	v21 =	vor.u32 v6, v12;
	_ =	sdelay $0x4  }
0x3c: {  	[tilespmem:v21+s16+$0x0] =	vst.idx.msk $0xffff, v20  }
0x3d: {  	v20 =	vld [tilespmem:$0x70];
	_ =	sdelay $0x4  }
0x3e: {  	v12 =	vshll.u32 v20, $0x7  }
0x3f: {  	v22 =	vld [tilespmem:$0x270];
	v23 =	vor.u32 v7, v12;
	_ =	sdelay $0x2  }
0x40: {  	v12 =	vshll.u32 v10, $0x7  }
0x41: {  	v24 =	vor.u32 v4, v12  }
0x42: {  	v13 =	vadd.s32 $0xFFFFFFFF, v13;
	v12 =	vadd.s32 $0xFFFFFFFF, v8;
	[tilespmem:v23+s16+$0x0] =	vst.idx.msk $0xffff, v22  }
0x43: {  	v13 =	vmin.u32 v13, $0xC7;
	v15 =	vadd.s32 $0xFFFFFFFF, v15;
	v22 =	vmin.u32 v12, $0xC7;
	v12 =	vld.idx.msk [tilespmem:v11+s16+$0x0], $0xffff  }
0x44: {  	v30 =	vmin.u32 v15, $0xC7;
	v28 =	vadd.s32 $0xFFFFFFFF, v16;
	v8 =	vshll.u32 v8, $0x7;
	v26 =	vld.idx.msk [tilespmem:v21+s16+$0x0], $0xffff  }
0x45: {  	v25 =	vor.u32 v1, v8;
	v8 =	vadd.s32 $0xFFFFFFFF, v22;
	v21 =	vshll.u32 v22, $0x7;
	v22 =	vld.idx.msk [tilespmem:v9+s16+$0x0], $0xffff  }
0x46: {  	v15 =	vadd.s32 $0xFFFFFFFF, v18;
	v18 =	vadd.s32 $0xFFFFFFFF, v30;
	v10 =	vadd.s32 $0xFFFFFFFF, v10;
	v24 =	vld.idx.msk [tilespmem:v24+s16+$0x0], $0xffff  }
0x47: {  	v16 =	vadd.s32 $0xFFFFFFFF, v19;
	v20 =	vadd.s32 $0xFFFFFFFF, v20;
	v10 =	vmin.u32 v10, $0xC7;
	v27 =	vld.idx.msk [tilespmem:v17+s16+$0x0], $0xffff  }
0x48: {  	v11 =	vshll.u32 v10, $0x7;
	v10 =	vadd.s32 $0xFFFFFFFF, v10;
	v17 =	vld.idx.msk [tilespmem:v23+s16+$0x0], $0xffff;
	v23 =	vmin.u32 v15, $0xC7  }
0x49: {  	v14 =	vld.idx.msk [tilespmem:v14+s16+$0x0], $0xffff;
	v15 =	vshll.u32 v13, $0x7;
	v13 =	vadd.s32 $0xFFFFFFFF, v13;
	v8 =	vmin.u32 v8, $0xC7  }
0x4a: {  	s26 =	simm.s32 $0x0;
	v9 =	vmin.u32 v10, $0xC7;
	v10 =	vor.u32 v1, v21;
	v11 =	vor.u32 v4, v11  }
0x4b: {  	v29 =	vld.idx.msk [tilespmem:v25+s16+$0x0], $0xffff;
	v21 =	vmin.u32 v16, $0xC7;
	v16 =	vor.u32 v0, v15;
	v15 =	vshll.u32 v23, $0x7;
	[tilespmem:s26+$0xCC20] =	vst v22  }
0x4c: {  	v23 =	vadd.s32 $0xFFFFFFFF, v23;
	v25 =	vmin.u32 v28, $0xC7;
	v13 =	vmin.u32 v13, $0xC7;
	[tilespmem:s26+$0xCC40] =	vst v24  }
0x4d: {  	v19 =	vor.u32 v5, v15;
	v22 =	vshll.u32 v21, $0x7;
	[tilespmem:s26+$0xCC30] =	vst v27;
	v27 =	vmin.u32 v20, $0xC7  }
0x4e: {  	v20 =	vshll.u32 v25, $0x7;
	v24 =	vshll.u32 v30, $0x7;
	[tilespmem:s26+$0xCC00] =	vst v14;
	v14 =	vmin.u32 v23, $0xC7  }
0x4f: {  	[tilespmem:s26+$0xCC60] =	vst v26;
	v15 =	vor.u32 v6, v22;
	v22 =	vshll.u32 v27, $0x7;
	v20 =	vor.u32 v3, v20  }
0x50: {  	s28 =	simm.s32 $0x400;
	[tilespmem:s26+$0xCC10] =	vst v29;
	v24 =	vor.u32 v2, v24;
	v23 =	vadd.s32 $0xFFFFFFFF, v27;
	v22 =	vor.u32 v7, v22  }
.LBB2_2:
0x51: {  	p0 =	sne.s32 s28, $0x18C00;
	[tilespmem:s26+$0xCC50] =	vst v12;
	v18 =	vmin.u32 v18, $0xC7;
	v12 =	vadd.s32 $0xFFFFFFFF, v25;
	v21 =	vadd.s32 $0xFFFFFFFF, v21;
	v25 =	vmovc v8;
	v26 =	vmovc v9;
	s29 =	smov.u32 s28;
	s28 =	sadd.s32 $0x400, s28  }
0x52: {  	v8 =	vadd.s32 $0xFFFFFFFF, v8;
	v9 =	vadd.s32 $0xFFFFFFFF, v9;
	[tilespmem:s26+$0xCC70] =	vst v17;
	v17 =	vmin.u32 v12, $0xC7  }
0x53: {  	v8 =	vmin.u32 v8, $0xC7;
	v9 =	vmin.u32 v9, $0xC7;
	v12 =	vld.idx.msk [tilespmem:v19+s16+$0x0], $0xffff;
	v19 =	vmin.u32 v21, $0xC7  }
0x54: {  	v21 =	vshll.u32 v9, $0x7;
	v27 =	vadd.s32 $0xFFFFFFFF, v8;
	v9 =	vadd.s32 $0xFFFFFFFF, v9;
	v16 =	vld.idx.msk [tilespmem:v16+s16+$0x0], $0xffff  }
0x55: {  	v28 =	vshll.u32 v8, $0x7;
	v8 =	vmin.u32 v27, $0xC7;
	v9 =	vmin.u32 v9, $0xC7;
	v24 =	vld.idx.msk [tilespmem:v24+s16+$0x0], $0xffff  }
0x56: {  	v22 =	vld.idx.msk [tilespmem:v22+s16+$0x0], $0xffff  }
0x57: {  	v11 =	vld.idx.msk [tilespmem:v11+s16+$0x0], $0xffff  }
0x58: {  	v10 =	vld.idx.msk [tilespmem:v10+s16+$0x0], $0xffff  }
0x59: {  	v15 =	vld.idx.msk [tilespmem:v15+s16+$0x0], $0xffff  }
0x5a: {  	v23 =	vmin.u32 v23, $0xC7;
	v27 =	vshll.u32 v19, $0x7;
	v20 =	vld.idx.msk [tilespmem:v20+s16+$0x0], $0xffff  }
0x5b: {  	v29 =	vshll.u32 v23, $0x7;
	v27 =	vor.u32 v6, v27;
	[tilespmem:s26+$0xCC80] =	vst v16  }
0x5c: {  	v30 =	vshll.u32 v17, $0x7;
	v29 =	vor.u32 v7, v29;
	v16 =	vshll.u32 v13, $0x7;
	[tilespmem:s26+$0xCCF0] =	vst v22  }
0x5d: {  	v16 =	vor.u32 v0, v16;
	v22 =	vshll.u32 v26, $0x7;
	v26 =	vshll.u32 v14, $0x7;
	[tilespmem:s26+$0xCCC0] =	vst v11  }
0x5e: {  	v11 =	vshll.u32 v25, $0x7;
	v25 =	vshll.u32 v18, $0x7;
	v26 =	vor.u32 v5, v26;
	[tilespmem:s26+$0xCC90] =	vst v10  }
0x5f: {  	v31 =	vor.u32 v1, v11;
	v10 =	vor.u32 v2, v25;
	v25 =	vor.u32 v3, v30;
	[tilespmem:s26+$0xCCE0] =	vst v15  }
0x60: {  	v11 =	vor.u32 v4, v22;
	[tilespmem:s26+$0xCCB0] =	vst v20  }
0x61: {  	[tilespmem:s26+$0xCCA0] =	vst v24  }
0x62: {  	[tilespmem:s26+$0xCCD0] =	vst v12  }
0x63: {  	v12 =	vld.idx.msk [tilespmem:v26+s16+$0x0], $0xffff  }
0x64: {  	v20 =	vld.idx.msk [tilespmem:v27+s16+$0x0], $0xffff  }
0x65: {  	v15 =	vld.idx.msk [tilespmem:v10+s16+$0x0], $0xffff  }
0x66: {  	v10 =	vor.u32 v1, v28;
	v22 =	vld.idx.msk [tilespmem:v11+s16+$0x0], $0xffff;
	v11 =	vor.u32 v4, v21  }
0x67: {  	v19 =	vadd.s32 $0xFFFFFFFF, v19;
	v18 =	vadd.s32 $0xFFFFFFFF, v18;
	s26 =	sshra.s32 s29, $0x2;
	v24 =	vld.idx.msk [tilespmem:v25+s16+$0x0], $0xffff;
	v25 =	vadd.s32 $0xFFFFFFFF, v17  }
0x68: {  	v23 =	vadd.s32 $0xFFFFFFFF, v23;
	v13 =	vadd.s32 $0xFFFFFFFF, v13;
	v27 =	vmin.u32 v18, $0xC7;
	v26 =	vld.idx.msk [tilespmem:v31+s16+$0x0], $0xffff  }
0x69: {  	v13 =	vmin.u32 v13, $0xC7;
	v14 =	vadd.s32 $0xFFFFFFFF, v14;
	v18 =	vadd.s32 $0xFFFFFFFF, v27;
	v28 =	vld.idx.msk [tilespmem:v16+s16+$0x0], $0xffff  }
0x6a: {  	v14 =	vmin.u32 v14, $0xC7;
	v21 =	vmin.u32 v19, $0xC7;
	v16 =	vshll.u32 v13, $0x7;
	v17 =	vld.idx.msk [tilespmem:v29+s16+$0x0], $0xffff  }
0x6b: {  	v16 =	vor.u32 v0, v16;
	v29 =	vshll.u32 v21, $0x7;
	[tilespmem:s26+$0xCC20] =	vst v15;
	v15 =	vshll.u32 v14, $0x7  }
.Ltmp0:
0x6c: {  	v14 =	vadd.s32 $0xFFFFFFFF, v14;
	[tilespmem:s26+$0xCC40] =	vst v22;
	v19 =	vor.u32 v5, v15;
	v15 =	vor.u32 v6, v29;
	(pc) =	sbr.rel @p0 .LBB2_2-.Ltmp0, $4  }
0x6d: {  	v23 =	vmin.u32 v23, $0xC7;
	v25 =	vmin.u32 v25, $0xC7;
	v13 =	vadd.s32 $0xFFFFFFFF, v13;
	[tilespmem:s26+$0xCC30] =	vst v24  }
0x6e: {  	v13 =	vmin.u32 v13, $0xC7;
	v22 =	vshll.u32 v25, $0x7;
	v24 =	vshll.u32 v23, $0x7;
	[tilespmem:s26+$0xCC10] =	vst v26  }
0x6f: {  	v26 =	vshll.u32 v27, $0x7;
	[tilespmem:s26+$0xCC60] =	vst v20;
	v20 =	vor.u32 v3, v22;
	v22 =	vor.u32 v7, v24  }
0x70: {  	v14 =	vmin.u32 v14, $0xC7;
	v23 =	vadd.s32 $0xFFFFFFFF, v23;
	v24 =	vor.u32 v2, v26;
	[tilespmem:s26+$0xCC00] =	vst v28  }
0x71: {  	_ =	sdelay $0x1  }
0x72: {  	[tilespmem:s26+$0xCC50] =	vst v12  }
0x73: {  	[tilespmem:s26+$0xCC70] =	vst v17  }
0x74: {  	v8 =	vld.idx.msk [tilespmem:v19+s16+$0x0], $0xffff  }
0x75: {  	v9 =	vld.idx.msk [tilespmem:v16+s16+$0x0], $0xffff  }
0x76: {  	v12 =	vld.idx.msk [tilespmem:v24+s16+$0x0], $0xffff  }
0x77: {  	v13 =	vld.idx.msk [tilespmem:v22+s16+$0x0], $0xffff  }
0x78: {  	v11 =	vld.idx.msk [tilespmem:v11+s16+$0x0], $0xffff  }
0x79: {  	v10 =	vld.idx.msk [tilespmem:v10+s16+$0x0], $0xffff  }
0x7a: {  	v14 =	vld.idx.msk [tilespmem:v15+s16+$0x0], $0xffff  }
0x7b: {  	v15 =	vld.idx.msk [tilespmem:v20+s16+$0x0], $0xffff;
	[tilespmem:s26+$0xCC80] =	vst v9  }
0x7c: {  	[tilespmem:s26+$0xCCF0] =	vst v13  }
0x7d: {  	[tilespmem:s26+$0xCCC0] =	vst v11  }
0x7e: {  	[tilespmem:s26+$0xCC90] =	vst v10  }
0x7f: {  	[tilespmem:s26+$0xCCE0] =	vst v14  }
0x80: {  	[tilespmem:s26+$0xCCB0] =	vst v15  }
0x81: {  	[tilespmem:s26+$0xCCA0] =	vst v12  }
0x82: {  	[tilespmem:s26+$0xCCD0] =	vst v8  }
0x83: {  	[hbm4b:s7+s16] =	stream.strided.scatter [tilespmem:s20], [sflag:$0x3], $0x6400, s15, s16, $0x38;
	[tilespmem:$0x19400] =	vst v63  }
0x84: {  	_ = 	snop  }
0x85: {  	[tilespmem:s16], [sflag:$0x1] =	stream.strided.gather [hbm4b:s8+s16], $0x6400, s15, s16, $0x38;
	[tilespmem:$0x19400] =	vst v63  }
0x86: {  	_ =	swait.ge [sflag:s21], $0x6400  }
0x87: {  	[sflag:s21] =	ssyncset.done $0x0  }
0x88: {  	[sflag:s21] =	ssyncadd.s32 $0xFFFF9C00  }
0x89: {  	v13 =	vld [tilespmem:$0x80];
	_ =	sdelay $0x4  }
0x8a: {  	v8 =	vshll.u32 v13, $0x7  }
0x8b: {  	v9 =	vld [tilespmem:$0x280];
	v14 =	vor.u32 v0, v8;
	_ =	sdelay $0x4  }
0x8c: {  	[tilespmem:v14+s18+$0x0] =	vst.idx.msk $0xffff, v9  }
0x8d: {  	v8 =	vld [tilespmem:$0x90];
	_ =	sdelay $0x4  }
0x8e: {  	v9 =	vshll.u32 v8, $0x7  }
0x8f: {  	v10 =	vld [tilespmem:$0x290];
	v9 =	vor.u32 v1, v9;
	_ =	sdelay $0x4  }
0x90: {  	[tilespmem:v9+s18+$0x0] =	vst.idx.msk $0xffff, v10  }
0x91: {  	v15 =	vld [tilespmem:$0xA0];
	_ =	sdelay $0x4  }
0x92: {  	v9 =	vshll.u32 v15, $0x7  }
0x93: {  	v10 =	vld [tilespmem:$0x2A0];
	v9 =	vor.u32 v2, v9;
	_ =	sdelay $0x4  }
0x94: {  	[tilespmem:v9+s18+$0x0] =	vst.idx.msk $0xffff, v10  }
0x95: {  	v16 =	vld [tilespmem:$0xB0];
	_ =	sdelay $0x4  }
0x96: {  	v10 =	vshll.u32 v16, $0x7  }
0x97: {  	v11 =	vld [tilespmem:$0x2B0];
	v17 =	vor.u32 v3, v10;
	_ =	sdelay $0x4  }
0x98: {  	[tilespmem:v17+s18+$0x0] =	vst.idx.msk $0xffff, v11  }
0x99: {  	v10 =	vld [tilespmem:$0xC0];
	_ =	sdelay $0x4  }
0x9a: {  	v11 =	vshll.u32 v10, $0x7  }
0x9b: {  	v12 =	vld [tilespmem:$0x2C0];
	v11 =	vor.u32 v4, v11;
	_ =	sdelay $0x4  }
0x9c: {  	[tilespmem:v11+s18+$0x0] =	vst.idx.msk $0xffff, v12  }
0x9d: {  	v18 =	vld [tilespmem:$0xD0];
	_ =	sdelay $0x4  }
0x9e: {  	v11 =	vshll.u32 v18, $0x7  }
0x9f: {  	v12 =	vld [tilespmem:$0x2D0];
	v11 =	vor.u32 v5, v11;
	_ =	sdelay $0x4  }
0xa0: {  	[tilespmem:v11+s18+$0x0] =	vst.idx.msk $0xffff, v12  }
0xa1: {  	v19 =	vld [tilespmem:$0xE0];
	_ =	sdelay $0x4  }
0xa2: {  	v12 =	vshll.u32 v19, $0x7  }
0xa3: {  	v20 =	vld [tilespmem:$0x2E0];
	v21 =	vor.u32 v6, v12;
	_ =	sdelay $0x4  }
0xa4: {  	[tilespmem:v21+s18+$0x0] =	vst.idx.msk $0xffff, v20  }
0xa5: {  	v20 =	vld [tilespmem:$0xF0];
	_ =	sdelay $0x4  }
0xa6: {  	v12 =	vshll.u32 v20, $0x7  }
0xa7: {  	v22 =	vld [tilespmem:$0x2F0];
	v23 =	vor.u32 v7, v12;
	_ =	sdelay $0x2  }
0xa8: {  	v12 =	vshll.u32 v10, $0x7  }
0xa9: {  	v24 =	vor.u32 v4, v12  }
0xaa: {  	v13 =	vadd.s32 $0xFFFFFFFF, v13;
	v12 =	vadd.s32 $0xFFFFFFFF, v8;
	[tilespmem:v23+s18+$0x0] =	vst.idx.msk $0xffff, v22  }
0xab: {  	v13 =	vmin.u32 v13, $0xC7;
	v15 =	vadd.s32 $0xFFFFFFFF, v15;
	v22 =	vmin.u32 v12, $0xC7;
	v12 =	vld.idx.msk [tilespmem:v11+s18+$0x0], $0xffff  }
0xac: {  	v30 =	vmin.u32 v15, $0xC7;
	v28 =	vadd.s32 $0xFFFFFFFF, v16;
	v8 =	vshll.u32 v8, $0x7;
	v26 =	vld.idx.msk [tilespmem:v21+s18+$0x0], $0xffff  }
0xad: {  	v25 =	vor.u32 v1, v8;
	v8 =	vadd.s32 $0xFFFFFFFF, v22;
	v21 =	vshll.u32 v22, $0x7;
	v22 =	vld.idx.msk [tilespmem:v9+s18+$0x0], $0xffff  }
0xae: {  	v15 =	vadd.s32 $0xFFFFFFFF, v18;
	v18 =	vadd.s32 $0xFFFFFFFF, v30;
	v10 =	vadd.s32 $0xFFFFFFFF, v10;
	v24 =	vld.idx.msk [tilespmem:v24+s18+$0x0], $0xffff  }
0xaf: {  	v16 =	vadd.s32 $0xFFFFFFFF, v19;
	v20 =	vadd.s32 $0xFFFFFFFF, v20;
	v10 =	vmin.u32 v10, $0xC7;
	v27 =	vld.idx.msk [tilespmem:v17+s18+$0x0], $0xffff  }
0xb0: {  	v11 =	vshll.u32 v10, $0x7;
	v10 =	vadd.s32 $0xFFFFFFFF, v10;
	v17 =	vld.idx.msk [tilespmem:v23+s18+$0x0], $0xffff;
	v23 =	vmin.u32 v15, $0xC7  }
0xb1: {  	v14 =	vld.idx.msk [tilespmem:v14+s18+$0x0], $0xffff;
	v15 =	vshll.u32 v13, $0x7;
	v13 =	vadd.s32 $0xFFFFFFFF, v13;
	v8 =	vmin.u32 v8, $0xC7  }
0xb2: {  	s26 =	simm.s32 $0x0;
	v9 =	vmin.u32 v10, $0xC7;
	v10 =	vor.u32 v1, v21;
	v11 =	vor.u32 v4, v11  }
0xb3: {  	v29 =	vld.idx.msk [tilespmem:v25+s18+$0x0], $0xffff;
	v21 =	vmin.u32 v16, $0xC7;
	v16 =	vor.u32 v0, v15;
	v15 =	vshll.u32 v23, $0x7;
	[tilespmem:s26+$0x13020] =	vst v22  }
0xb4: {  	v23 =	vadd.s32 $0xFFFFFFFF, v23;
	v25 =	vmin.u32 v28, $0xC7;
	v13 =	vmin.u32 v13, $0xC7;
	[tilespmem:s26+$0x13040] =	vst v24  }
0xb5: {  	v19 =	vor.u32 v5, v15;
	v22 =	vshll.u32 v21, $0x7;
	[tilespmem:s26+$0x13030] =	vst v27;
	v27 =	vmin.u32 v20, $0xC7  }
0xb6: {  	v20 =	vshll.u32 v25, $0x7;
	v24 =	vshll.u32 v30, $0x7;
	[tilespmem:s26+$0x13000] =	vst v14;
	v14 =	vmin.u32 v23, $0xC7  }
0xb7: {  	[tilespmem:s26+$0x13060] =	vst v26;
	v15 =	vor.u32 v6, v22;
	v22 =	vshll.u32 v27, $0x7;
	v20 =	vor.u32 v3, v20  }
0xb8: {  	s28 =	simm.s32 $0x400;
	[tilespmem:s26+$0x13010] =	vst v29;
	v24 =	vor.u32 v2, v24;
	v23 =	vadd.s32 $0xFFFFFFFF, v27;
	v22 =	vor.u32 v7, v22  }
.LBB2_4:
0xb9: {  	p0 =	sne.s32 s28, $0x18C00;
	[tilespmem:s26+$0x13050] =	vst v12;
	v18 =	vmin.u32 v18, $0xC7;
	v12 =	vadd.s32 $0xFFFFFFFF, v25;
	v21 =	vadd.s32 $0xFFFFFFFF, v21;
	v25 =	vmovc v8;
	v26 =	vmovc v9;
	s29 =	smov.u32 s28;
	s28 =	sadd.s32 $0x400, s28  }
0xba: {  	v8 =	vadd.s32 $0xFFFFFFFF, v8;
	v9 =	vadd.s32 $0xFFFFFFFF, v9;
	[tilespmem:s26+$0x13070] =	vst v17;
	v17 =	vmin.u32 v12, $0xC7  }
0xbb: {  	v8 =	vmin.u32 v8, $0xC7;
	v9 =	vmin.u32 v9, $0xC7;
	v12 =	vld.idx.msk [tilespmem:v19+s18+$0x0], $0xffff;
	v19 =	vmin.u32 v21, $0xC7  }
0xbc: {  	v21 =	vshll.u32 v9, $0x7;
	v27 =	vadd.s32 $0xFFFFFFFF, v8;
	v9 =	vadd.s32 $0xFFFFFFFF, v9;
	v16 =	vld.idx.msk [tilespmem:v16+s18+$0x0], $0xffff  }
0xbd: {  	v28 =	vshll.u32 v8, $0x7;
	v8 =	vmin.u32 v27, $0xC7;
	v9 =	vmin.u32 v9, $0xC7;
	v24 =	vld.idx.msk [tilespmem:v24+s18+$0x0], $0xffff  }
0xbe: {  	v22 =	vld.idx.msk [tilespmem:v22+s18+$0x0], $0xffff  }
0xbf: {  	v11 =	vld.idx.msk [tilespmem:v11+s18+$0x0], $0xffff  }
0xc0: {  	v10 =	vld.idx.msk [tilespmem:v10+s18+$0x0], $0xffff  }
0xc1: {  	v15 =	vld.idx.msk [tilespmem:v15+s18+$0x0], $0xffff  }
0xc2: {  	v23 =	vmin.u32 v23, $0xC7;
	v27 =	vshll.u32 v19, $0x7;
	v20 =	vld.idx.msk [tilespmem:v20+s18+$0x0], $0xffff  }
0xc3: {  	v29 =	vshll.u32 v23, $0x7;
	v27 =	vor.u32 v6, v27;
	[tilespmem:s26+$0x13080] =	vst v16  }
0xc4: {  	v30 =	vshll.u32 v17, $0x7;
	v29 =	vor.u32 v7, v29;
	v16 =	vshll.u32 v13, $0x7;
	[tilespmem:s26+$0x130F0] =	vst v22  }
0xc5: {  	v16 =	vor.u32 v0, v16;
	v22 =	vshll.u32 v26, $0x7;
	v26 =	vshll.u32 v14, $0x7;
	[tilespmem:s26+$0x130C0] =	vst v11  }
0xc6: {  	v11 =	vshll.u32 v25, $0x7;
	v25 =	vshll.u32 v18, $0x7;
	v26 =	vor.u32 v5, v26;
	[tilespmem:s26+$0x13090] =	vst v10  }
0xc7: {  	v31 =	vor.u32 v1, v11;
	v10 =	vor.u32 v2, v25;
	v25 =	vor.u32 v3, v30;
	[tilespmem:s26+$0x130E0] =	vst v15  }
0xc8: {  	v11 =	vor.u32 v4, v22;
	[tilespmem:s26+$0x130B0] =	vst v20  }
0xc9: {  	[tilespmem:s26+$0x130A0] =	vst v24  }
0xca: {  	[tilespmem:s26+$0x130D0] =	vst v12  }
0xcb: {  	v12 =	vld.idx.msk [tilespmem:v26+s18+$0x0], $0xffff  }
0xcc: {  	v20 =	vld.idx.msk [tilespmem:v27+s18+$0x0], $0xffff  }
0xcd: {  	v15 =	vld.idx.msk [tilespmem:v10+s18+$0x0], $0xffff  }
0xce: {  	v10 =	vor.u32 v1, v28;
	v22 =	vld.idx.msk [tilespmem:v11+s18+$0x0], $0xffff;
	v11 =	vor.u32 v4, v21  }
0xcf: {  	v19 =	vadd.s32 $0xFFFFFFFF, v19;
	v18 =	vadd.s32 $0xFFFFFFFF, v18;
	s26 =	sshra.s32 s29, $0x2;
	v24 =	vld.idx.msk [tilespmem:v25+s18+$0x0], $0xffff;
	v25 =	vadd.s32 $0xFFFFFFFF, v17  }
0xd0: {  	v23 =	vadd.s32 $0xFFFFFFFF, v23;
	v13 =	vadd.s32 $0xFFFFFFFF, v13;
	v27 =	vmin.u32 v18, $0xC7;
	v26 =	vld.idx.msk [tilespmem:v31+s18+$0x0], $0xffff  }
0xd1: {  	v13 =	vmin.u32 v13, $0xC7;
	v14 =	vadd.s32 $0xFFFFFFFF, v14;
	v18 =	vadd.s32 $0xFFFFFFFF, v27;
	v28 =	vld.idx.msk [tilespmem:v16+s18+$0x0], $0xffff  }
0xd2: {  	v14 =	vmin.u32 v14, $0xC7;
	v21 =	vmin.u32 v19, $0xC7;
	v16 =	vshll.u32 v13, $0x7;
	v17 =	vld.idx.msk [tilespmem:v29+s18+$0x0], $0xffff  }
0xd3: {  	v16 =	vor.u32 v0, v16;
	v29 =	vshll.u32 v21, $0x7;
	[tilespmem:s26+$0x13020] =	vst v15;
	v15 =	vshll.u32 v14, $0x7  }
.Ltmp1:
0xd4: {  	v14 =	vadd.s32 $0xFFFFFFFF, v14;
	[tilespmem:s26+$0x13040] =	vst v22;
	v19 =	vor.u32 v5, v15;
	v15 =	vor.u32 v6, v29;
	(pc) =	sbr.rel @p0 .LBB2_4-.Ltmp1, $4  }
0xd5: {  	v23 =	vmin.u32 v23, $0xC7;
	v25 =	vmin.u32 v25, $0xC7;
	v13 =	vadd.s32 $0xFFFFFFFF, v13;
	[tilespmem:s26+$0x13030] =	vst v24  }
0xd6: {  	v13 =	vmin.u32 v13, $0xC7;
	v22 =	vshll.u32 v25, $0x7;
	v24 =	vshll.u32 v23, $0x7;
	[tilespmem:s26+$0x13010] =	vst v26  }
0xd7: {  	v26 =	vshll.u32 v27, $0x7;
	[tilespmem:s26+$0x13060] =	vst v20;
	v20 =	vor.u32 v3, v22;
	v22 =	vor.u32 v7, v24  }
0xd8: {  	v14 =	vmin.u32 v14, $0xC7;
	v23 =	vadd.s32 $0xFFFFFFFF, v23;
	v24 =	vor.u32 v2, v26;
	[tilespmem:s26+$0x13000] =	vst v28  }
0xd9: {  	_ =	sdelay $0x1  }
0xda: {  	[tilespmem:s26+$0x13050] =	vst v12  }
0xdb: {  	[tilespmem:s26+$0x13070] =	vst v17  }
0xdc: {  	v8 =	vld.idx.msk [tilespmem:v19+s18+$0x0], $0xffff  }
0xdd: {  	v9 =	vld.idx.msk [tilespmem:v16+s18+$0x0], $0xffff  }
0xde: {  	v12 =	vld.idx.msk [tilespmem:v24+s18+$0x0], $0xffff  }
0xdf: {  	v13 =	vld.idx.msk [tilespmem:v22+s18+$0x0], $0xffff  }
0xe0: {  	v11 =	vld.idx.msk [tilespmem:v11+s18+$0x0], $0xffff  }
0xe1: {  	v10 =	vld.idx.msk [tilespmem:v10+s18+$0x0], $0xffff  }
0xe2: {  	v14 =	vld.idx.msk [tilespmem:v15+s18+$0x0], $0xffff  }
0xe3: {  	v15 =	vld.idx.msk [tilespmem:v20+s18+$0x0], $0xffff;
	[tilespmem:s26+$0x13080] =	vst v9  }
0xe4: {  	[tilespmem:s26+$0x130F0] =	vst v13  }
0xe5: {  	[tilespmem:s26+$0x130C0] =	vst v11  }
0xe6: {  	[tilespmem:s26+$0x13090] =	vst v10  }
0xe7: {  	[tilespmem:s26+$0x130E0] =	vst v14  }
0xe8: {  	[tilespmem:s26+$0x130B0] =	vst v15  }
0xe9: {  	[tilespmem:s26+$0x130A0] =	vst v12  }
0xea: {  	[tilespmem:s26+$0x130D0] =	vst v8  }
0xeb: {  	[hbm4b:s9+s16] =	stream.strided.scatter [tilespmem:s22], [sflag:$0x4], $0x6400, s15, s16, $0x38;
	[tilespmem:$0x19400] =	vst v63  }
0xec: {  	_ = 	snop  }
0xed: {  	[tilespmem:s18], [sflag:$0x2] =	stream.strided.gather [hbm4b:s10+s16], $0x6400, s15, s16, $0x38;
	[tilespmem:$0x19400] =	vst v63  }
0xee: {  	_ =	swait.ge [sflag:s19], $0x6400  }
0xef: {  	[sflag:s19] =	ssyncset.done $0x0  }
0xf0: {  	[sflag:s19] =	ssyncadd.s32 $0xFFFF9C00  }
0xf1: {  	_ =	swait.ge [sflag:s23], $0x6400  }
0xf2: {  	[sflag:s23] =	ssyncset.done $0x0  }
0xf3: {  	[sflag:s23] =	ssyncadd.s32 $0xFFFF9C00  }
0xf4: {  	v13 =	vld [tilespmem:$0x100];
	_ =	sdelay $0x4  }
0xf5: {  	v8 =	vshll.u32 v13, $0x7  }
0xf6: {  	v9 =	vld [tilespmem:$0x300];
	v14 =	vor.u32 v0, v8;
	_ =	sdelay $0x4  }
0xf7: {  	[tilespmem:v14+s16+$0x0] =	vst.idx.msk $0xffff, v9  }
0xf8: {  	v8 =	vld [tilespmem:$0x110];
	_ =	sdelay $0x4  }
0xf9: {  	v9 =	vshll.u32 v8, $0x7  }
0xfa: {  	v10 =	vld [tilespmem:$0x310];
	v9 =	vor.u32 v1, v9;
	_ =	sdelay $0x4  }
0xfb: {  	[tilespmem:v9+s16+$0x0] =	vst.idx.msk $0xffff, v10  }
0xfc: {  	v15 =	vld [tilespmem:$0x120];
	_ =	sdelay $0x4  }
0xfd: {  	v9 =	vshll.u32 v15, $0x7  }
0xfe: {  	v10 =	vld [tilespmem:$0x320];
	v9 =	vor.u32 v2, v9;
	_ =	sdelay $0x4  }
0xff: {  	[tilespmem:v9+s16+$0x0] =	vst.idx.msk $0xffff, v10  }
0x100: {  	v16 =	vld [tilespmem:$0x130];
	_ =	sdelay $0x4  }
0x101: {  	v10 =	vshll.u32 v16, $0x7  }
0x102: {  	v11 =	vld [tilespmem:$0x330];
	v17 =	vor.u32 v3, v10;
	_ =	sdelay $0x4  }
0x103: {  	[tilespmem:v17+s16+$0x0] =	vst.idx.msk $0xffff, v11  }
0x104: {  	v10 =	vld [tilespmem:$0x140];
	_ =	sdelay $0x4  }
0x105: {  	v11 =	vshll.u32 v10, $0x7  }
0x106: {  	v12 =	vld [tilespmem:$0x340];
	v11 =	vor.u32 v4, v11;
	_ =	sdelay $0x4  }
0x107: {  	[tilespmem:v11+s16+$0x0] =	vst.idx.msk $0xffff, v12  }
0x108: {  	v18 =	vld [tilespmem:$0x150];
	_ =	sdelay $0x4  }
0x109: {  	v11 =	vshll.u32 v18, $0x7  }
0x10a: {  	v12 =	vld [tilespmem:$0x350];
	v11 =	vor.u32 v5, v11;
	_ =	sdelay $0x4  }
0x10b: {  	[tilespmem:v11+s16+$0x0] =	vst.idx.msk $0xffff, v12  }
0x10c: {  	v19 =	vld [tilespmem:$0x160];
	_ =	sdelay $0x4  }
0x10d: {  	v12 =	vshll.u32 v19, $0x7  }
0x10e: {  	v20 =	vld [tilespmem:$0x360];
	v21 =	vor.u32 v6, v12;
	_ =	sdelay $0x4  }
0x10f: {  	[tilespmem:v21+s16+$0x0] =	vst.idx.msk $0xffff, v20  }
0x110: {  	v20 =	vld [tilespmem:$0x170];
	_ =	sdelay $0x4  }
0x111: {  	v12 =	vshll.u32 v20, $0x7  }
0x112: {  	v22 =	vld [tilespmem:$0x370];
	v23 =	vor.u32 v7, v12;
	_ =	sdelay $0x2  }
0x113: {  	v12 =	vshll.u32 v10, $0x7  }
0x114: {  	v24 =	vor.u32 v4, v12  }
0x115: {  	v13 =	vadd.s32 $0xFFFFFFFF, v13;
	v12 =	vadd.s32 $0xFFFFFFFF, v8;
	[tilespmem:v23+s16+$0x0] =	vst.idx.msk $0xffff, v22  }
0x116: {  	v13 =	vmin.u32 v13, $0xC7;
	v15 =	vadd.s32 $0xFFFFFFFF, v15;
	v22 =	vmin.u32 v12, $0xC7;
	v12 =	vld.idx.msk [tilespmem:v11+s16+$0x0], $0xffff  }
0x117: {  	v30 =	vmin.u32 v15, $0xC7;
	v28 =	vadd.s32 $0xFFFFFFFF, v16;
	v8 =	vshll.u32 v8, $0x7;
	v26 =	vld.idx.msk [tilespmem:v21+s16+$0x0], $0xffff  }
0x118: {  	v25 =	vor.u32 v1, v8;
	v8 =	vadd.s32 $0xFFFFFFFF, v22;
	v21 =	vshll.u32 v22, $0x7;
	v22 =	vld.idx.msk [tilespmem:v9+s16+$0x0], $0xffff  }
0x119: {  	v15 =	vadd.s32 $0xFFFFFFFF, v18;
	v18 =	vadd.s32 $0xFFFFFFFF, v30;
	v10 =	vadd.s32 $0xFFFFFFFF, v10;
	v24 =	vld.idx.msk [tilespmem:v24+s16+$0x0], $0xffff  }
0x11a: {  	v16 =	vadd.s32 $0xFFFFFFFF, v19;
	v20 =	vadd.s32 $0xFFFFFFFF, v20;
	v10 =	vmin.u32 v10, $0xC7;
	v27 =	vld.idx.msk [tilespmem:v17+s16+$0x0], $0xffff  }
0x11b: {  	v11 =	vshll.u32 v10, $0x7;
	v10 =	vadd.s32 $0xFFFFFFFF, v10;
	v17 =	vld.idx.msk [tilespmem:v23+s16+$0x0], $0xffff;
	v23 =	vmin.u32 v15, $0xC7  }
0x11c: {  	v14 =	vld.idx.msk [tilespmem:v14+s16+$0x0], $0xffff;
	v15 =	vshll.u32 v13, $0x7;
	v13 =	vadd.s32 $0xFFFFFFFF, v13;
	v8 =	vmin.u32 v8, $0xC7  }
0x11d: {  	s26 =	simm.s32 $0x0;
	v9 =	vmin.u32 v10, $0xC7;
	v10 =	vor.u32 v1, v21;
	v11 =	vor.u32 v4, v11  }
0x11e: {  	v29 =	vld.idx.msk [tilespmem:v25+s16+$0x0], $0xffff;
	v21 =	vmin.u32 v16, $0xC7;
	v16 =	vor.u32 v0, v15;
	v15 =	vshll.u32 v23, $0x7;
	[tilespmem:s26+$0xCC20] =	vst v22  }
0x11f: {  	v23 =	vadd.s32 $0xFFFFFFFF, v23;
	v25 =	vmin.u32 v28, $0xC7;
	v13 =	vmin.u32 v13, $0xC7;
	[tilespmem:s26+$0xCC40] =	vst v24  }
0x120: {  	v19 =	vor.u32 v5, v15;
	v22 =	vshll.u32 v21, $0x7;
	[tilespmem:s26+$0xCC30] =	vst v27;
	v27 =	vmin.u32 v20, $0xC7  }
0x121: {  	v20 =	vshll.u32 v25, $0x7;
	v24 =	vshll.u32 v30, $0x7;
	[tilespmem:s26+$0xCC00] =	vst v14;
	v14 =	vmin.u32 v23, $0xC7  }
0x122: {  	[tilespmem:s26+$0xCC60] =	vst v26;
	v15 =	vor.u32 v6, v22;
	v22 =	vshll.u32 v27, $0x7;
	v20 =	vor.u32 v3, v20  }
0x123: {  	s28 =	simm.s32 $0x400;
	[tilespmem:s26+$0xCC10] =	vst v29;
	v24 =	vor.u32 v2, v24;
	v23 =	vadd.s32 $0xFFFFFFFF, v27;
	v22 =	vor.u32 v7, v22  }
.LBB2_6:
0x124: {  	p0 =	sne.s32 s28, $0x18C00;
	[tilespmem:s26+$0xCC50] =	vst v12;
	v18 =	vmin.u32 v18, $0xC7;
	v12 =	vadd.s32 $0xFFFFFFFF, v25;
	v21 =	vadd.s32 $0xFFFFFFFF, v21;
	v25 =	vmovc v8;
	v26 =	vmovc v9;
	s29 =	smov.u32 s28;
	s28 =	sadd.s32 $0x400, s28  }
0x125: {  	v8 =	vadd.s32 $0xFFFFFFFF, v8;
	v9 =	vadd.s32 $0xFFFFFFFF, v9;
	[tilespmem:s26+$0xCC70] =	vst v17;
	v17 =	vmin.u32 v12, $0xC7  }
0x126: {  	v8 =	vmin.u32 v8, $0xC7;
	v9 =	vmin.u32 v9, $0xC7;
	v12 =	vld.idx.msk [tilespmem:v19+s16+$0x0], $0xffff;
	v19 =	vmin.u32 v21, $0xC7  }
0x127: {  	v21 =	vshll.u32 v9, $0x7;
	v27 =	vadd.s32 $0xFFFFFFFF, v8;
	v9 =	vadd.s32 $0xFFFFFFFF, v9;
	v16 =	vld.idx.msk [tilespmem:v16+s16+$0x0], $0xffff  }
0x128: {  	v28 =	vshll.u32 v8, $0x7;
	v8 =	vmin.u32 v27, $0xC7;
	v9 =	vmin.u32 v9, $0xC7;
	v24 =	vld.idx.msk [tilespmem:v24+s16+$0x0], $0xffff  }
0x129: {  	v22 =	vld.idx.msk [tilespmem:v22+s16+$0x0], $0xffff  }
0x12a: {  	v11 =	vld.idx.msk [tilespmem:v11+s16+$0x0], $0xffff  }
0x12b: {  	v10 =	vld.idx.msk [tilespmem:v10+s16+$0x0], $0xffff  }
0x12c: {  	v15 =	vld.idx.msk [tilespmem:v15+s16+$0x0], $0xffff  }
0x12d: {  	v23 =	vmin.u32 v23, $0xC7;
	v27 =	vshll.u32 v19, $0x7;
	v20 =	vld.idx.msk [tilespmem:v20+s16+$0x0], $0xffff  }
0x12e: {  	v29 =	vshll.u32 v23, $0x7;
	v27 =	vor.u32 v6, v27;
	[tilespmem:s26+$0xCC80] =	vst v16  }
0x12f: {  	v30 =	vshll.u32 v17, $0x7;
	v29 =	vor.u32 v7, v29;
	v16 =	vshll.u32 v13, $0x7;
	[tilespmem:s26+$0xCCF0] =	vst v22  }
0x130: {  	v16 =	vor.u32 v0, v16;
	v22 =	vshll.u32 v26, $0x7;
	v26 =	vshll.u32 v14, $0x7;
	[tilespmem:s26+$0xCCC0] =	vst v11  }
0x131: {  	v11 =	vshll.u32 v25, $0x7;
	v25 =	vshll.u32 v18, $0x7;
	v26 =	vor.u32 v5, v26;
	[tilespmem:s26+$0xCC90] =	vst v10  }
0x132: {  	v31 =	vor.u32 v1, v11;
	v10 =	vor.u32 v2, v25;
	v25 =	vor.u32 v3, v30;
	[tilespmem:s26+$0xCCE0] =	vst v15  }
0x133: {  	v11 =	vor.u32 v4, v22;
	[tilespmem:s26+$0xCCB0] =	vst v20  }
0x134: {  	[tilespmem:s26+$0xCCA0] =	vst v24  }
0x135: {  	[tilespmem:s26+$0xCCD0] =	vst v12  }
0x136: {  	v12 =	vld.idx.msk [tilespmem:v26+s16+$0x0], $0xffff  }
0x137: {  	v20 =	vld.idx.msk [tilespmem:v27+s16+$0x0], $0xffff  }
0x138: {  	v15 =	vld.idx.msk [tilespmem:v10+s16+$0x0], $0xffff  }
0x139: {  	v10 =	vor.u32 v1, v28;
	v22 =	vld.idx.msk [tilespmem:v11+s16+$0x0], $0xffff;
	v11 =	vor.u32 v4, v21  }
0x13a: {  	v19 =	vadd.s32 $0xFFFFFFFF, v19;
	v18 =	vadd.s32 $0xFFFFFFFF, v18;
	s26 =	sshra.s32 s29, $0x2;
	v24 =	vld.idx.msk [tilespmem:v25+s16+$0x0], $0xffff;
	v25 =	vadd.s32 $0xFFFFFFFF, v17  }
0x13b: {  	v23 =	vadd.s32 $0xFFFFFFFF, v23;
	v13 =	vadd.s32 $0xFFFFFFFF, v13;
	v27 =	vmin.u32 v18, $0xC7;
	v26 =	vld.idx.msk [tilespmem:v31+s16+$0x0], $0xffff  }
0x13c: {  	v13 =	vmin.u32 v13, $0xC7;
	v14 =	vadd.s32 $0xFFFFFFFF, v14;
	v18 =	vadd.s32 $0xFFFFFFFF, v27;
	v28 =	vld.idx.msk [tilespmem:v16+s16+$0x0], $0xffff  }
0x13d: {  	v14 =	vmin.u32 v14, $0xC7;
	v21 =	vmin.u32 v19, $0xC7;
	v16 =	vshll.u32 v13, $0x7;
	v17 =	vld.idx.msk [tilespmem:v29+s16+$0x0], $0xffff  }
0x13e: {  	v16 =	vor.u32 v0, v16;
	v29 =	vshll.u32 v21, $0x7;
	[tilespmem:s26+$0xCC20] =	vst v15;
	v15 =	vshll.u32 v14, $0x7  }
.Ltmp2:
0x13f: {  	v14 =	vadd.s32 $0xFFFFFFFF, v14;
	[tilespmem:s26+$0xCC40] =	vst v22;
	v19 =	vor.u32 v5, v15;
	v15 =	vor.u32 v6, v29;
	(pc) =	sbr.rel @p0 .LBB2_6-.Ltmp2, $4  }
0x140: {  	v23 =	vmin.u32 v23, $0xC7;
	v25 =	vmin.u32 v25, $0xC7;
	v13 =	vadd.s32 $0xFFFFFFFF, v13;
	[tilespmem:s26+$0xCC30] =	vst v24  }
0x141: {  	v13 =	vmin.u32 v13, $0xC7;
	v22 =	vshll.u32 v25, $0x7;
	v24 =	vshll.u32 v23, $0x7;
	[tilespmem:s26+$0xCC10] =	vst v26  }
0x142: {  	v26 =	vshll.u32 v27, $0x7;
	[tilespmem:s26+$0xCC60] =	vst v20;
	v20 =	vor.u32 v3, v22;
	v22 =	vor.u32 v7, v24  }
0x143: {  	v14 =	vmin.u32 v14, $0xC7;
	v23 =	vadd.s32 $0xFFFFFFFF, v23;
	v24 =	vor.u32 v2, v26;
	[tilespmem:s26+$0xCC00] =	vst v28  }
0x144: {  	_ =	sdelay $0x1  }
0x145: {  	[tilespmem:s26+$0xCC50] =	vst v12  }
0x146: {  	[tilespmem:s26+$0xCC70] =	vst v17  }
0x147: {  	v8 =	vld.idx.msk [tilespmem:v19+s16+$0x0], $0xffff  }
0x148: {  	v9 =	vld.idx.msk [tilespmem:v16+s16+$0x0], $0xffff  }
0x149: {  	v12 =	vld.idx.msk [tilespmem:v24+s16+$0x0], $0xffff  }
0x14a: {  	v13 =	vld.idx.msk [tilespmem:v22+s16+$0x0], $0xffff  }
0x14b: {  	v11 =	vld.idx.msk [tilespmem:v11+s16+$0x0], $0xffff  }
0x14c: {  	v10 =	vld.idx.msk [tilespmem:v10+s16+$0x0], $0xffff  }
0x14d: {  	v14 =	vld.idx.msk [tilespmem:v15+s16+$0x0], $0xffff  }
0x14e: {  	v15 =	vld.idx.msk [tilespmem:v20+s16+$0x0], $0xffff;
	[tilespmem:s26+$0xCC80] =	vst v9  }
0x14f: {  	[tilespmem:s26+$0xCCF0] =	vst v13  }
0x150: {  	[tilespmem:s26+$0xCCC0] =	vst v11  }
0x151: {  	[tilespmem:s26+$0xCC90] =	vst v10  }
0x152: {  	[tilespmem:s26+$0xCCE0] =	vst v14  }
0x153: {  	[tilespmem:s26+$0xCCB0] =	vst v15  }
0x154: {  	[tilespmem:s26+$0xCCA0] =	vst v12  }
0x155: {  	[tilespmem:s26+$0xCCD0] =	vst v8  }
0x156: {  	[hbm4b:s11+s16] =	stream.strided.scatter [tilespmem:s20], [sflag:$0x3], $0x6400, s15, s16, $0x38;
	[tilespmem:$0x19400] =	vst v63  }
0x157: {  	_ =	swait.ge [sflag:s21], $0x6400  }
0x158: {  	[sflag:s21] =	ssyncset.done $0x0  }
0x159: {  	[sflag:s21] =	ssyncadd.s32 $0xFFFF9C00  }
0x15a: {  	_ =	swait.ge [sflag:s24], $0x6400  }
0x15b: {  	[sflag:s24] =	ssyncset.done $0x0  }
0x15c: {  	[sflag:s24] =	ssyncadd.s32 $0xFFFF9C00  }
0x15d: {  	v13 =	vld [tilespmem:$0x180];
	_ =	sdelay $0x4  }
0x15e: {  	v8 =	vshll.u32 v13, $0x7  }
0x15f: {  	v9 =	vld [tilespmem:$0x380];
	v14 =	vor.u32 v0, v8;
	_ =	sdelay $0x4  }
0x160: {  	[tilespmem:v14+s18+$0x0] =	vst.idx.msk $0xffff, v9  }
0x161: {  	v8 =	vld [tilespmem:$0x190];
	_ =	sdelay $0x4  }
0x162: {  	v9 =	vshll.u32 v8, $0x7  }
0x163: {  	v10 =	vld [tilespmem:$0x390];
	v9 =	vor.u32 v1, v9;
	_ =	sdelay $0x4  }
0x164: {  	[tilespmem:v9+s18+$0x0] =	vst.idx.msk $0xffff, v10  }
0x165: {  	v15 =	vld [tilespmem:$0x1A0];
	_ =	sdelay $0x4  }
0x166: {  	v9 =	vshll.u32 v15, $0x7  }
0x167: {  	v10 =	vld [tilespmem:$0x3A0];
	v9 =	vor.u32 v2, v9;
	_ =	sdelay $0x4  }
0x168: {  	[tilespmem:v9+s18+$0x0] =	vst.idx.msk $0xffff, v10  }
0x169: {  	v16 =	vld [tilespmem:$0x1B0];
	_ =	sdelay $0x4  }
0x16a: {  	v10 =	vshll.u32 v16, $0x7  }
0x16b: {  	v11 =	vld [tilespmem:$0x3B0];
	v17 =	vor.u32 v3, v10;
	_ =	sdelay $0x4  }
0x16c: {  	[tilespmem:v17+s18+$0x0] =	vst.idx.msk $0xffff, v11  }
0x16d: {  	v10 =	vld [tilespmem:$0x1C0];
	_ =	sdelay $0x4  }
0x16e: {  	v11 =	vshll.u32 v10, $0x7  }
0x16f: {  	v12 =	vld [tilespmem:$0x3C0];
	v11 =	vor.u32 v4, v11;
	_ =	sdelay $0x4  }
0x170: {  	[tilespmem:v11+s18+$0x0] =	vst.idx.msk $0xffff, v12  }
0x171: {  	v18 =	vld [tilespmem:$0x1D0];
	_ =	sdelay $0x4  }
0x172: {  	v11 =	vshll.u32 v18, $0x7  }
0x173: {  	v12 =	vld [tilespmem:$0x3D0];
	v11 =	vor.u32 v5, v11;
	_ =	sdelay $0x4  }
0x174: {  	[tilespmem:v11+s18+$0x0] =	vst.idx.msk $0xffff, v12  }
0x175: {  	v19 =	vld [tilespmem:$0x1E0];
	_ =	sdelay $0x4  }
0x176: {  	v12 =	vshll.u32 v19, $0x7  }
0x177: {  	v20 =	vld [tilespmem:$0x3E0];
	v21 =	vor.u32 v6, v12;
	_ =	sdelay $0x4  }
0x178: {  	[tilespmem:v21+s18+$0x0] =	vst.idx.msk $0xffff, v20  }
0x179: {  	v20 =	vld [tilespmem:$0x1F0];
	_ =	sdelay $0x4  }
0x17a: {  	v12 =	vshll.u32 v20, $0x7  }
0x17b: {  	v22 =	vld [tilespmem:$0x3F0];
	v23 =	vor.u32 v7, v12;
	_ =	sdelay $0x2  }
0x17c: {  	v12 =	vshll.u32 v10, $0x7  }
0x17d: {  	v24 =	vor.u32 v4, v12  }
0x17e: {  	v13 =	vadd.s32 $0xFFFFFFFF, v13;
	v12 =	vadd.s32 $0xFFFFFFFF, v8;
	[tilespmem:v23+s18+$0x0] =	vst.idx.msk $0xffff, v22  }
0x17f: {  	v13 =	vmin.u32 v13, $0xC7;
	v15 =	vadd.s32 $0xFFFFFFFF, v15;
	v22 =	vmin.u32 v12, $0xC7;
	v12 =	vld.idx.msk [tilespmem:v11+s18+$0x0], $0xffff  }
0x180: {  	v30 =	vmin.u32 v15, $0xC7;
	v28 =	vadd.s32 $0xFFFFFFFF, v16;
	v8 =	vshll.u32 v8, $0x7;
	v26 =	vld.idx.msk [tilespmem:v21+s18+$0x0], $0xffff  }
0x181: {  	v25 =	vor.u32 v1, v8;
	v8 =	vadd.s32 $0xFFFFFFFF, v22;
	v21 =	vshll.u32 v22, $0x7;
	v22 =	vld.idx.msk [tilespmem:v9+s18+$0x0], $0xffff  }
0x182: {  	v15 =	vadd.s32 $0xFFFFFFFF, v18;
	v18 =	vadd.s32 $0xFFFFFFFF, v30;
	v10 =	vadd.s32 $0xFFFFFFFF, v10;
	v24 =	vld.idx.msk [tilespmem:v24+s18+$0x0], $0xffff  }
0x183: {  	v16 =	vadd.s32 $0xFFFFFFFF, v19;
	v20 =	vadd.s32 $0xFFFFFFFF, v20;
	v10 =	vmin.u32 v10, $0xC7;
	v27 =	vld.idx.msk [tilespmem:v17+s18+$0x0], $0xffff  }
0x184: {  	v11 =	vshll.u32 v10, $0x7;
	v10 =	vadd.s32 $0xFFFFFFFF, v10;
	v17 =	vld.idx.msk [tilespmem:v23+s18+$0x0], $0xffff;
	v23 =	vmin.u32 v15, $0xC7  }
0x185: {  	v14 =	vld.idx.msk [tilespmem:v14+s18+$0x0], $0xffff;
	v15 =	vshll.u32 v13, $0x7;
	v13 =	vadd.s32 $0xFFFFFFFF, v13;
	v8 =	vmin.u32 v8, $0xC7  }
0x186: {  	s26 =	simm.s32 $0x0;
	v9 =	vmin.u32 v10, $0xC7;
	v10 =	vor.u32 v1, v21;
	v11 =	vor.u32 v4, v11  }
0x187: {  	v29 =	vld.idx.msk [tilespmem:v25+s18+$0x0], $0xffff;
	v21 =	vmin.u32 v16, $0xC7;
	v16 =	vor.u32 v0, v15;
	v15 =	vshll.u32 v23, $0x7;
	[tilespmem:s26+$0x13020] =	vst v22  }
0x188: {  	v23 =	vadd.s32 $0xFFFFFFFF, v23;
	v25 =	vmin.u32 v28, $0xC7;
	v13 =	vmin.u32 v13, $0xC7;
	[tilespmem:s26+$0x13040] =	vst v24  }
0x189: {  	v19 =	vor.u32 v5, v15;
	v22 =	vshll.u32 v21, $0x7;
	[tilespmem:s26+$0x13030] =	vst v27;
	v27 =	vmin.u32 v20, $0xC7  }
0x18a: {  	v20 =	vshll.u32 v25, $0x7;
	v24 =	vshll.u32 v30, $0x7;
	[tilespmem:s26+$0x13000] =	vst v14;
	v14 =	vmin.u32 v23, $0xC7  }
0x18b: {  	[tilespmem:s26+$0x13060] =	vst v26;
	v15 =	vor.u32 v6, v22;
	v22 =	vshll.u32 v27, $0x7;
	v20 =	vor.u32 v3, v20  }
0x18c: {  	s28 =	simm.s32 $0x400;
	[tilespmem:s26+$0x13010] =	vst v29;
	v24 =	vor.u32 v2, v24;
	v23 =	vadd.s32 $0xFFFFFFFF, v27;
	v22 =	vor.u32 v7, v22  }
.LBB2_8:
0x18d: {  	p0 =	sne.s32 s28, $0x18C00;
	[tilespmem:s26+$0x13050] =	vst v12;
	v18 =	vmin.u32 v18, $0xC7;
	v12 =	vadd.s32 $0xFFFFFFFF, v25;
	v21 =	vadd.s32 $0xFFFFFFFF, v21;
	v25 =	vmovc v8;
	v26 =	vmovc v9;
	s29 =	smov.u32 s28;
	s28 =	sadd.s32 $0x400, s28  }
0x18e: {  	v8 =	vadd.s32 $0xFFFFFFFF, v8;
	v9 =	vadd.s32 $0xFFFFFFFF, v9;
	[tilespmem:s26+$0x13070] =	vst v17;
	v17 =	vmin.u32 v12, $0xC7  }
0x18f: {  	v8 =	vmin.u32 v8, $0xC7;
	v9 =	vmin.u32 v9, $0xC7;
	v12 =	vld.idx.msk [tilespmem:v19+s18+$0x0], $0xffff;
	v19 =	vmin.u32 v21, $0xC7  }
0x190: {  	v21 =	vshll.u32 v9, $0x7;
	v27 =	vadd.s32 $0xFFFFFFFF, v8;
	v9 =	vadd.s32 $0xFFFFFFFF, v9;
	v16 =	vld.idx.msk [tilespmem:v16+s18+$0x0], $0xffff  }
0x191: {  	v28 =	vshll.u32 v8, $0x7;
	v8 =	vmin.u32 v27, $0xC7;
	v9 =	vmin.u32 v9, $0xC7;
	v24 =	vld.idx.msk [tilespmem:v24+s18+$0x0], $0xffff  }
0x192: {  	v22 =	vld.idx.msk [tilespmem:v22+s18+$0x0], $0xffff  }
0x193: {  	v11 =	vld.idx.msk [tilespmem:v11+s18+$0x0], $0xffff  }
0x194: {  	v10 =	vld.idx.msk [tilespmem:v10+s18+$0x0], $0xffff  }
0x195: {  	v15 =	vld.idx.msk [tilespmem:v15+s18+$0x0], $0xffff  }
0x196: {  	v23 =	vmin.u32 v23, $0xC7;
	v27 =	vshll.u32 v19, $0x7;
	v20 =	vld.idx.msk [tilespmem:v20+s18+$0x0], $0xffff  }
0x197: {  	v29 =	vshll.u32 v23, $0x7;
	v27 =	vor.u32 v6, v27;
	[tilespmem:s26+$0x13080] =	vst v16  }
0x198: {  	v30 =	vshll.u32 v17, $0x7;
	v29 =	vor.u32 v7, v29;
	v16 =	vshll.u32 v13, $0x7;
	[tilespmem:s26+$0x130F0] =	vst v22  }
0x199: {  	v16 =	vor.u32 v0, v16;
	v22 =	vshll.u32 v26, $0x7;
	v26 =	vshll.u32 v14, $0x7;
	[tilespmem:s26+$0x130C0] =	vst v11  }
0x19a: {  	v11 =	vshll.u32 v25, $0x7;
	v25 =	vshll.u32 v18, $0x7;
	v26 =	vor.u32 v5, v26;
	[tilespmem:s26+$0x13090] =	vst v10  }
0x19b: {  	v31 =	vor.u32 v1, v11;
	v10 =	vor.u32 v2, v25;
	v25 =	vor.u32 v3, v30;
	[tilespmem:s26+$0x130E0] =	vst v15  }
0x19c: {  	v11 =	vor.u32 v4, v22;
	[tilespmem:s26+$0x130B0] =	vst v20  }
0x19d: {  	[tilespmem:s26+$0x130A0] =	vst v24  }
0x19e: {  	[tilespmem:s26+$0x130D0] =	vst v12  }
0x19f: {  	v12 =	vld.idx.msk [tilespmem:v26+s18+$0x0], $0xffff  }
0x1a0: {  	v20 =	vld.idx.msk [tilespmem:v27+s18+$0x0], $0xffff  }
0x1a1: {  	v15 =	vld.idx.msk [tilespmem:v10+s18+$0x0], $0xffff  }
0x1a2: {  	v10 =	vor.u32 v1, v28;
	v22 =	vld.idx.msk [tilespmem:v11+s18+$0x0], $0xffff;
	v11 =	vor.u32 v4, v21  }
0x1a3: {  	v19 =	vadd.s32 $0xFFFFFFFF, v19;
	v18 =	vadd.s32 $0xFFFFFFFF, v18;
	s26 =	sshra.s32 s29, $0x2;
	v24 =	vld.idx.msk [tilespmem:v25+s18+$0x0], $0xffff;
	v25 =	vadd.s32 $0xFFFFFFFF, v17  }
0x1a4: {  	v23 =	vadd.s32 $0xFFFFFFFF, v23;
	v13 =	vadd.s32 $0xFFFFFFFF, v13;
	v27 =	vmin.u32 v18, $0xC7;
	v26 =	vld.idx.msk [tilespmem:v31+s18+$0x0], $0xffff  }
0x1a5: {  	v13 =	vmin.u32 v13, $0xC7;
	v14 =	vadd.s32 $0xFFFFFFFF, v14;
	v18 =	vadd.s32 $0xFFFFFFFF, v27;
	v28 =	vld.idx.msk [tilespmem:v16+s18+$0x0], $0xffff  }
0x1a6: {  	v14 =	vmin.u32 v14, $0xC7;
	v21 =	vmin.u32 v19, $0xC7;
	v16 =	vshll.u32 v13, $0x7;
	v17 =	vld.idx.msk [tilespmem:v29+s18+$0x0], $0xffff  }
0x1a7: {  	v16 =	vor.u32 v0, v16;
	v29 =	vshll.u32 v21, $0x7;
	[tilespmem:s26+$0x13020] =	vst v15;
	v15 =	vshll.u32 v14, $0x7  }
.Ltmp3:
0x1a8: {  	v14 =	vadd.s32 $0xFFFFFFFF, v14;
	[tilespmem:s26+$0x13040] =	vst v22;
	v19 =	vor.u32 v5, v15;
	v15 =	vor.u32 v6, v29;
	(pc) =	sbr.rel @p0 .LBB2_8-.Ltmp3, $4  }
0x1a9: {  	v23 =	vmin.u32 v23, $0xC7;
	v25 =	vmin.u32 v25, $0xC7;
	v13 =	vadd.s32 $0xFFFFFFFF, v13;
	[tilespmem:s26+$0x13030] =	vst v24  }
0x1aa: {  	v13 =	vmin.u32 v13, $0xC7;
	v22 =	vshll.u32 v25, $0x7;
	v24 =	vshll.u32 v23, $0x7;
	[tilespmem:s26+$0x13010] =	vst v26  }
0x1ab: {  	v26 =	vshll.u32 v27, $0x7;
	[tilespmem:s26+$0x13060] =	vst v20;
	v20 =	vor.u32 v3, v22;
	v22 =	vor.u32 v7, v24  }
0x1ac: {  	v14 =	vmin.u32 v14, $0xC7;
	v23 =	vadd.s32 $0xFFFFFFFF, v23;
	v24 =	vor.u32 v2, v26;
	[tilespmem:s26+$0x13000] =	vst v28  }
0x1ad: {  	_ =	sdelay $0x1  }
0x1ae: {  	[tilespmem:s26+$0x13050] =	vst v12  }
0x1af: {  	[tilespmem:s26+$0x13070] =	vst v17  }
0x1b0: {  	v8 =	vld.idx.msk [tilespmem:v19+s18+$0x0], $0xffff  }
0x1b1: {  	v9 =	vld.idx.msk [tilespmem:v16+s18+$0x0], $0xffff  }
0x1b2: {  	v12 =	vld.idx.msk [tilespmem:v24+s18+$0x0], $0xffff  }
0x1b3: {  	v13 =	vld.idx.msk [tilespmem:v22+s18+$0x0], $0xffff  }
0x1b4: {  	v11 =	vld.idx.msk [tilespmem:v11+s18+$0x0], $0xffff  }
0x1b5: {  	v10 =	vld.idx.msk [tilespmem:v10+s18+$0x0], $0xffff  }
0x1b6: {  	v14 =	vld.idx.msk [tilespmem:v15+s18+$0x0], $0xffff  }
0x1b7: {  	v63 =	vld.idx.msk [tilespmem:v20+s18+$0x0], $0xffff;
	[tilespmem:s26+$0x13080] =	vst v9  }
0x1b8: {  	[tilespmem:s26+$0x130F0] =	vst v13  }
0x1b9: {  	[tilespmem:s26+$0x130C0] =	vst v11  }
0x1ba: {  	[tilespmem:s26+$0x13090] =	vst v10  }
0x1bb: {  	[tilespmem:s26+$0x130E0] =	vst v14  }
0x1bc: {  	[tilespmem:s26+$0x130B0] =	vst v63  }
0x1bd: {  	[tilespmem:s26+$0x130A0] =	vst v12  }
0x1be: {  	s25 =	sadd.s32 $0x1, s25;
	[tilespmem:s26+$0x130D0] =	vst v8  }
0x1bf: {  	[hbm4b:s12+s16] =	stream.strided.scatter [tilespmem:s22], [sflag:$0x4], $0x6400, s15, s16, $0x38;
	[tilespmem:$0x19400] =	vst v63  }
0x1c0: {  	p0 =	sne.s32 s25, s13;
	_ =	swait.ge [sflag:s23], $0x6400  }
.Ltmp4:
0x1c1: {  	[sflag:s23] =	ssyncset.done $0x0;
	(pc) =	sbr.rel @p0 .LBB2_1-.Ltmp4, $4  }
0x1c2: {  	[sflag:s23] =	ssyncadd.s32 $0xFFFF9C00  }
0x1c3: {  	_ =	swait.ge [sflag:s24], $0x6400  }
0x1c4: {  	[sflag:s24] =	ssyncset.done $0x0  }
0x1c5: {  	[sflag:s24] =	ssyncadd.s32 $0xFFFF9C00  }
0x1c6: {  	_ =	sfence.sel $0x180000  }
0x1c7: {  	[bflag:$0x0] =	sbarrier.arrive $0xFFFF  }
0x1c8: {  	p0 =	sne.s32 s1, $0x0;
	_ =	strace $0x90000047  }
0x1c9: {  	s0 =	sadd.s32 @!p0 $0x100000, s0;
	[bflag:$0x2] =	sbarrier.arrive $0xFFFF  }
0x1ca: {  	[sflag:s0] =	ssyncadd.tile.s32 @!p0 $0x1;
	_ =	shalt  }
.Lfunc_end2:
_tile_overlayer_lowered:
.L_overlay_start_2:
0x1cb: {  	(tag) =	ssettag $0x2  }
0x1cc: {  	s0 =	rddreg [dreg:$0x0];
	s2 =	stileid.u32  }
0x1cd: {  	s1 =	rddreg [dreg:$0x1];
	p0 =	sne.s32 s2, $0x0  }
0x1ce: {  	s3 =	rddreg [dreg:$0x2];
	[bflag:$0x3] =	sbarrier.arrive $0xFFFF;
	s2 =	simm.s32 @!p0 $0x1C06  }
0x1cf: {  	[timem:s3], [sflag:s2] =	dma.local @!p0 [hbm:s0], s1  }
0x1d0: {  	s0 =	simm.s32 @!p0 $0x6  }
0x1d1: {  	_ =	swait.ge @!p0 [sflag:s0], s1  }
0x1d2: {  	s1 =	ssub.s32 @!p0 $0x0, s1;
	[sflag:s0] =	ssyncset.done @!p0 $0x0  }
0x1d3: {  	[sflag:s0] =	ssyncadd.s32 @!p0 s1  }
0x1d4: {  	[bflag:$0x3] =	sbarrier.arrive $0xFFFF  }
0x1d5: {  	_ =	shalt  }

</sc_bundles>
